<compile_context>
chip_gen: v7x
topology: tpu7x:2x2x1
jax: 0.10.2.dev20260603
libtpu: 0.0.44.dev20260713+nightly
codegen_flags: <defaults>
</compile_context>

<pallas_src>
import functools

import jax
import jax.numpy as jnp
import numpy as np
from jax.experimental import pallas as pl
from jax.experimental.pallas import tpu as pltpu

K = 32
D = 128
NHEAD = 8
DH = D // NHEAD
H_IMG, W_IMG = 512, 512
STRIDE = 4
HF, WF = H_IMG // STRIDE, W_IMG // STRIDE
P = HF * WF
NUM_LEVEL = 4
N_POINTS = 4
N_LAYERS = 2
N_T = 512
DFF = 2 * D
SHAPES = [(HF, WF), (HF // 2, WF // 2), (HF // 4, WF // 4), (HF // 8, WF // 8)]
STARTS = [0, P, P + P // 4, P + P // 4 + P // 16]

ROWS_PER_BLK = 8


def _topk_body(c_ref, idx_ref, scratch):
    scratch[...] = c_ref[...]
    iota = jax.lax.broadcasted_iota(jnp.int32, (ROWS_PER_BLK, P), 1)
    kiota = jax.lax.broadcasted_iota(jnp.int32, (ROWS_PER_BLK, K), 1)

    def body(i, idxs):
        x = scratch[...]
        m = jnp.max(x, axis=1, keepdims=True)
        cand = jnp.where(x == m, iota, P)
        amin = jnp.min(cand, axis=1)
        scratch[...] = jnp.where(iota == amin[:, None], -jnp.inf, x)
        return jnp.where(kiota == i, amin[:, None], idxs)

    idxs = jax.lax.fori_loop(0, K, body, jnp.zeros((ROWS_PER_BLK, K), jnp.int32))
    idx_ref[0] = idxs


def _topk(c):
    nblk = N_T // ROWS_PER_BLK
    out = pl.pallas_call(
        _topk_body,
        grid=(nblk,),
        in_specs=[pl.BlockSpec((ROWS_PER_BLK, P), lambda i: (i, 0))],
        out_specs=pl.BlockSpec((1, ROWS_PER_BLK, K), lambda i: (i, 0, 0)),
        out_shape=jax.ShapeDtypeStruct((nblk, ROWS_PER_BLK, K), jnp.int32),
        scratch_shapes=[pltpu.VMEM((ROWS_PER_BLK, P), jnp.float32)],
    )(c)
    return out.reshape(N_T, K)


def _hdot(a, b):
    return jax.lax.dot_general(a, b, (((a.ndim - 1,), (0,)), ((), ())),
                               precision=jax.lax.Precision.HIGHEST)


def _layer_norm(x, g, b):
    mu = jnp.mean(x, axis=-1, keepdims=True)
    var = jnp.var(x, axis=-1, keepdims=True)
    return (x - mu) / jnp.sqrt(var + 1e-5) * g + b


PAD_EXTRA = 136
P_PAD = STARTS[3] + SHAPES[3][0] * SHAPES[3][1] + PAD_EXTRA
TROWS = NHEAD * P_PAD
S_TOTAL = N_T * K * NHEAD * NUM_LEVEL * N_POINTS
GCHUNK = 128


def _sc_gather(table, idx_flat):
    from jax.experimental.pallas import tpu_sc as plsc
    info = plsc.get_sparse_core_info()
    ncores, nsub = info.num_cores, info.num_subcores
    nw = ncores * nsub
    per_w = S_TOTAL // nw
    nchunks = per_w // GCHUNK
    mesh = plsc.VectorSubcoreMesh(core_axis_name="c", subcore_axis_name="s")

    npairs = nchunks // 2

    @functools.partial(
        pl.kernel, mesh=mesh,
        out_type=jax.ShapeDtypeStruct((S_TOTAL, D), jnp.float32),
        scratch_types=[
            pltpu.VMEM((GCHUNK,), jnp.int32),
            pltpu.VMEM((GCHUNK,), jnp.int32),
            pltpu.VMEM((GCHUNK, D), jnp.float32),
            pltpu.VMEM((GCHUNK, D), jnp.float32),
            pltpu.SemaphoreType.DMA,
            pltpu.SemaphoreType.DMA,
        ],
    )
    def gk(table_hbm, idx_hbm, out_hbm, idx_v0, idx_v1, rows_v0, rows_v1,
           sem0, sem1):
        wid = jax.lax.axis_index("s") * ncores + jax.lax.axis_index("c")
        base = wid * per_w
        pltpu.sync_copy(idx_hbm.at[pl.ds(base, GCHUNK)], idx_v0)
        pltpu.async_copy(table_hbm.at[idx_v0], rows_v0, sem0)

        def body(j, carry):
            off0 = base + (2 * j) * GCHUNK
            off1 = off0 + GCHUNK
            pltpu.sync_copy(idx_hbm.at[pl.ds(off1, GCHUNK)], idx_v1)
            pltpu.async_copy(table_hbm.at[idx_v1], rows_v1, sem1)
            pltpu.make_async_copy(table_hbm.at[idx_v0], rows_v0, sem0).wait()
            pltpu.sync_copy(rows_v0, out_hbm.at[pl.ds(off0, GCHUNK)])

            @pl.when(j < npairs - 1)
            def _():
                pltpu.sync_copy(idx_hbm.at[pl.ds(off0 + 2 * GCHUNK, GCHUNK)],
                                idx_v0)
                pltpu.async_copy(table_hbm.at[idx_v0], rows_v0, sem0)

            pltpu.make_async_copy(table_hbm.at[idx_v1], rows_v1, sem1).wait()
            pltpu.sync_copy(rows_v1, out_hbm.at[pl.ds(off1, GCHUNK)])
            return carry

        jax.lax.fori_loop(0, npairs, body, 0)

    return gk(table, idx_flat)


def _lane_consts():
    lane = np.arange(D)
    lvl = (lane % (NUM_LEVEL * N_POINTS)) // N_POINTS
    head = lane // (NUM_LEVEL * N_POINTS)
    Wl = np.array([SHAPES[l][1] for l in range(NUM_LEVEL)])[lvl]
    Hl = np.array([SHAPES[l][0] for l in range(NUM_LEVEL)])[lvl]
    sv = np.array(STARTS)[lvl]
    hoff = head * P_PAD
    return (jnp.asarray(Wl[None], jnp.float32), jnp.asarray(Hl[None], jnp.float32),
            jnp.asarray(Wl[None], jnp.int32), jnp.asarray(Hl[None], jnp.int32),
            jnp.asarray((sv + hoff)[None], jnp.int32))


def _off_perm():
    j = np.arange(D)
    return np.concatenate([2 * j, 2 * j + 1])


def _coords_body(q_ref, x_ref, y_ref, wa_ref, ba_ref,
                 wlf_ref, hlf_ref, wli_ref, hli_ref, soff_ref,
                 idx_ref, w0_ref, w1_ref, w2_ref, w3_ref):
    q = q_ref[...]
    x = x_ref[...]
    y = y_ref[...]
    za = _hdot(q, wa_ref[...]) + ba_ref[...]
    blk = za.shape[0]
    z3 = za.reshape(blk, NHEAD, NUM_LEVEL * N_POINTS)
    z3 = z3 - jnp.max(z3, axis=-1, keepdims=True)
    e3 = jnp.exp(z3)
    attnw = (e3 / jnp.sum(e3, axis=-1, keepdims=True)).reshape(blk, D)
    x0f = jnp.floor(x); y0f = jnp.floor(y)
    wx = x - x0f; wy = y - y0f
    wli = wli_ref[...]; hli = hli_ref[...]
    x0i = jnp.clip(x0f.astype(jnp.int32), 0, wli - 1)
    y0i = jnp.clip(y0f.astype(jnp.int32), 0, hli - 1)
    foldx = x0i == wli - 1
    foldy = y0i == hli - 1
    w00 = (1 - wx) * (1 - wy); w01 = wx * (1 - wy)
    w10 = (1 - wx) * wy;       w11 = wx * wy
    z = jnp.zeros_like(wx)
    a00 = w00 + jnp.where(foldx, w01, z); a01 = jnp.where(foldx, z, w01)
    a10 = w10 + jnp.where(foldx, w11, z); a11 = jnp.where(foldx, z, w11)
    b00 = a00 + jnp.where(foldy, a10, z); b10 = jnp.where(foldy, z, a10)
    b01 = a01 + jnp.where(foldy, a11, z); b11 = jnp.where(foldy, z, a11)
    idx_ref[...] = y0i * wli + x0i + soff_ref[...]
    w0_ref[...] = b00 * attnw
    w1_ref[...] = b01 * attnw
    w2_ref[...] = b10 * attnw
    w3_ref[...] = b11 * attnw


CBLK = 512


def _coords(lp, q, refxy):
    M = q.shape[0]
    perm = _off_perm()
    proj = q @ lp['W_off'][:, perm] + lp['b_off'][perm]
    consts = _lane_consts()
    wlf, hlf = consts[0], consts[1]
    refx = refxy[:, 0:1]; refy = refxy[:, 1:2]
    xin = (refx + proj[:, 0:D] / wlf) * wlf - 0.5
    yin = (refy + proj[:, D:2 * D] / hlf) * hlf - 0.5
    full = lambda shape: pl.BlockSpec(shape, lambda i: tuple(0 for _ in shape))
    mspec = pl.BlockSpec((CBLK, D), lambda i: (i, 0))
    out = pl.pallas_call(
        _coords_body,
        grid=(M // CBLK,),
        in_specs=[
            mspec, mspec, mspec,
            full((D, D)), full((1, D)),
            full((1, D)), full((1, D)), full((1, D)), full((1, D)), full((1, D)),
        ],
        out_specs=[mspec] * 5,
        out_shape=[jax.ShapeDtypeStruct((M, D), jnp.int32)]
        + [jax.ShapeDtypeStruct((M, D), jnp.float32)] * 4,
    )(q, xin, yin, lp['W_attn'], lp['b_attn'].reshape(1, D), *consts)
    return out[0].reshape(S_TOTAL), out[1], out[2], out[3], out[4]


def _sel_mats():
    E = np.zeros((NHEAD, 4, D, D), np.float32)
    for h in range(NHEAD):
        for c in range(4):
            for dh in range(DH):
                E[h, c, h * DH + dh, c * DH + dh] = 1.0
    return jnp.asarray(E)


VBLK = 640
ABLK = 952


def _vmat_body(f_ref, w_ref, b_ref, o_ref):
    o_ref[...] = _hdot(f_ref[...], w_ref[...]) + b_ref[...]


def _asm_body(v0_ref, v1_ref, v2_ref, v3_ref, e_ref, o_ref):
    e = e_ref[0]
    acc = _hdot(v0_ref[...], e[0])
    acc = acc + _hdot(v1_ref[...], e[1])
    acc = acc + _hdot(v2_ref[...], e[2])
    acc = acc + _hdot(v3_ref[...], e[3])
    o_ref[0] = acc


def _build_table(kv, lp, emats):
    P_total = kv.shape[0]
    full = lambda shape: pl.BlockSpec(shape, lambda *a: tuple(0 for _ in shape))
    v = pl.pallas_call(
        _vmat_body,
        grid=(P_total // VBLK,),
        in_specs=[pl.BlockSpec((VBLK, D), lambda i: (i, 0)),
                  full((D, D)), full((1, D))],
        out_specs=pl.BlockSpec((VBLK, D), lambda i: (i, 0)),
        out_shape=jax.ShapeDtypeStruct((P_total, D), jnp.float32),
    )(kv, lp['W_val'], lp['b_val'].reshape(1, D))
    vp = jnp.pad(v, ((0, P_PAD - P_total), (0, 0)))
    vsh = []
    for c in range(4):
        parts = []
        for l in range(NUM_LEVEL):
            Hl, Wl = SHAPES[l]
            d = (0, 1, Wl, Wl + 1)[c]
            parts.append(jax.lax.dynamic_slice_in_dim(vp, STARTS[l] + d, Hl * Wl))
        sh = jnp.concatenate(parts, axis=0)
        vsh.append(jnp.pad(sh, ((0, P_PAD - P_total), (0, 0))))
    tab = pl.pallas_call(
        _asm_body,
        grid=(NHEAD, P_PAD // ABLK),
        in_specs=[pl.BlockSpec((ABLK, D), lambda h, j: (j, 0))] * 4
        + [pl.BlockSpec((1, 4, D, D), lambda h, j: (h, 0, 0, 0))],
        out_specs=pl.BlockSpec((1, ABLK, D), lambda h, j: (h, j, 0)),
        out_shape=jax.ShapeDtypeStruct((NHEAD, P_PAD, D), jnp.float32),
    )(*vsh, emats)
    return tab.reshape(TROWS, D)


MBLK = 64
NS = NUM_LEVEL * N_POINTS


def _post_body(rows_ref, w0_ref, w1_ref, w2_ref, w3_ref, q_ref, wout_ref,
               bout_ref, ln1g_ref, ln1b_ref,
               w1f_ref, b1f_ref, w2f_ref, b2f_ref, ln2g_ref, ln2b_ref, out_ref):
    rows = rows_ref[...]
    ws = (w0_ref, w1_ref, w2_ref, w3_ref)
    acc = rows[:, :, 0:DH] * w0_ref[...][..., None]
    for c in range(1, 4):
        acc = acc + rows[:, :, c * DH:(c + 1) * DH] * ws[c][...][..., None]
    g = jnp.sum(acc.reshape(MBLK, NHEAD, NS, DH), axis=2)
    out = g.reshape(MBLK, D)
    y = _hdot(out, wout_ref[...]) + bout_ref[...] + q_ref[...]
    y = _layer_norm(y, ln1g_ref[...], ln1b_ref[...])
    ff = _hdot(jnp.maximum(_hdot(y, w1f_ref[...]) + b1f_ref[...], 0.0), w2f_ref[...]) + b2f_ref[...]
    out_ref[...] = _layer_norm(y + ff, ln2g_ref[...], ln2b_ref[...])


def _post(rows, w0, w1, w2, w3, q, lp):
    M = q.shape[0]
    grid = (M // MBLK,)
    full = lambda shape: pl.BlockSpec(shape, lambda i: tuple(0 for _ in shape))
    mspec = pl.BlockSpec((MBLK, D), lambda i: (i, 0))
    return pl.pallas_call(
        _post_body,
        grid=grid,
        in_specs=[
            pl.BlockSpec((MBLK, NHEAD * NS, D), lambda i: (i, 0, 0)),
            mspec, mspec, mspec, mspec, mspec,
            full((D, D)), full((1, D)), full((1, D)), full((1, D)),
            full((D, DFF)), full((1, DFF)), full((DFF, D)), full((1, D)),
            full((1, D)), full((1, D)),
        ],
        out_specs=mspec,
        out_shape=jax.ShapeDtypeStruct((M, D), jnp.float32),
    )(rows, w0, w1, w2, w3, q, lp['W_out'], lp['b_out'].reshape(1, D),
      lp['ln1_g'].reshape(1, D), lp['ln1_b'].reshape(1, D),
      lp['ffn_w1'], lp['ffn_b1'].reshape(1, DFF), lp['ffn_w2'],
      lp['ffn_b2'].reshape(1, D), lp['ln2_g'].reshape(1, D),
      lp['ln2_b'].reshape(1, D))


def _dmsmha_block(lp, q, table, refxy):
    M = q.shape[0]
    idx_flat, w0, w1, w2, w3 = _coords(lp, q, refxy)
    rows = _sc_gather(table, idx_flat)
    rows = rows.reshape(M, NHEAD * NS, D)
    return _post(rows, w0, w1, w2, w3, q, lp)


FBLK = 256
TB = 64


def _fusion_body(qtk_ref, qt_ref, wf1_ref, wf2_ref, bf_ref, wls_ref, bls_ref,
                 fused_ref, log_ref):
    qt = qt_ref[...]
    qrep = jnp.broadcast_to(qt[:, None, :], (FBLK // K, K, D)).reshape(FBLK, D)
    fused = _hdot(qtk_ref[...], wf1_ref[...]) + _hdot(qrep, wf2_ref[...]) + bf_ref[...]
    fused_ref[...] = fused
    log_ref[...] = _hdot(fused, wls_ref[...]) + bls_ref[...]


def _fusion(qtk, qt, p):
    M = qtk.shape[0]
    wf1 = p['W_fusion'][:D]
    wf2 = p['W_fusion'][D:]
    wls = jnp.stack([p['w_cert'], p['w_score']], axis=1)
    bls = jnp.stack([p['b_cert'], p['b_score']]).reshape(1, 2)
    full = lambda shape: pl.BlockSpec(shape, lambda i: tuple(0 for _ in shape))
    return pl.pallas_call(
        _fusion_body,
        grid=(M // FBLK,),
        in_specs=[
            pl.BlockSpec((FBLK, D), lambda i: (i, 0)),
            pl.BlockSpec((FBLK // K, D), lambda i: (i, 0)),
            full((D, D)), full((D, D)), full((1, D)), full((D, 2)), full((1, 2)),
        ],
        out_specs=[pl.BlockSpec((FBLK, D), lambda i: (i, 0)),
                   pl.BlockSpec((FBLK, 2), lambda i: (i, 0))],
        out_shape=[jax.ShapeDtypeStruct((M, D), jnp.float32),
                   jax.ShapeDtypeStruct((M, 2), jnp.float32)],
    )(qtk, qt, wf1, wf2, p['b_fusion'].reshape(1, D), wls, bls)


def _head_consts():
    GH = np.zeros((D, D), np.float32)
    EX = np.zeros((D, D), np.float32)
    for h in range(NHEAD):
        for dh in range(DH):
            GH[h * DH + dh, h] = 1.0
            EX[h, h * DH + dh] = 1.0
    Gt = np.zeros((TB, TB * K), np.float32)
    for t in range(TB):
        Gt[t, t * K:(t + 1) * K] = 1.0
    return jnp.asarray(GH), jnp.asarray(EX), jnp.asarray(Gt)


def _mha_body(f_ref, qt_ref, wq_ref, wk_ref, wv_ref, wo_ref, bo_ref,
              lng_ref, lnb_ref, wfin1_ref, wfin2_ref, bfin_ref,
              gh_ref, ex_ref, gt_ref, out_ref):
    kv = f_ref[...]
    qt = qt_ref[...]
    kh = _hdot(kv, wk_ref[...])
    vh = _hdot(kv, wv_ref[...])
    qh = _hdot(qt, wq_ref[...])
    qrep = jnp.broadcast_to(qh[:, None, :], (TB, K, D)).reshape(TB * K, D)
    L = _hdot(qrep * kh, gh_ref[...]) / 4.0
    L3 = L.reshape(TB, K, D)
    L3 = L3 - jnp.max(L3, axis=1, keepdims=True)
    e3 = jnp.exp(L3)
    a3 = e3 / jnp.sum(e3, axis=1, keepdims=True)
    alane = _hdot(a3.reshape(TB * K, D), ex_ref[...])
    o = _hdot(gt_ref[...], alane * vh)
    y = _hdot(o, wo_ref[...]) + bo_ref[...]
    y = _layer_norm(qt + y, lng_ref[...], lnb_ref[...])
    out_ref[...] = (_hdot(y, wfin1_ref[...]) + _hdot(qt, wfin2_ref[...])
                    + bfin_ref[...])


def _mha_final(fused, qt, p):
    GH, EX, Gt = _head_consts()
    wfin1 = p['W_final'][:D]
    wfin2 = p['W_final'][D:]
    full = lambda shape: pl.BlockSpec(shape, lambda i: tuple(0 for _ in shape))
    return pl.pallas_call(
        _mha_body,
        grid=(N_T // TB,),
        in_specs=[
            pl.BlockSpec((TB * K, D), lambda i: (i, 0)),
            pl.BlockSpec((TB, D), lambda i: (i, 0)),
            full((D, D)), full((D, D)), full((D, D)), full((D, D)), full((1, D)),
            full((1, D)), full((1, D)), full((D, D)), full((D, D)), full((1, D)),
            full((D, D)), full((D, D)), full((TB, TB * K)),
        ],
        out_specs=pl.BlockSpec((TB, D), lambda i: (i, 0)),
        out_shape=jax.ShapeDtypeStruct((N_T, D), jnp.float32),
    )(fused, qt, p['fus_Wq'], p['fus_Wk'], p['fus_Wv'], p['fus_Wo'],
      p['fus_bo'].reshape(1, D), p['fus_ln_g'].reshape(1, D),
      p['fus_ln_b'].reshape(1, D), wfin1, wfin2,
      p['b_final'].reshape(1, D), GH, EX, Gt)


def kernel(q_t, f4, f8, f16, f32, c_t, params):
    N_t = q_t.shape[1]
    top_k_idx = _topk(c_t[0]).reshape(1, N_t, K)
    wcol = (top_k_idx % WF).astype(jnp.float32)
    hrow = (top_k_idx // WF).astype(jnp.float32)
    p_patch = jnp.stack([wcol, hrow], axis=-1) * STRIDE + STRIDE / 2.0
    norm = jnp.clip(p_patch / jnp.array([W_IMG, H_IMG], jnp.float32), 0.0, 1.0)
    refxy = norm.reshape(N_t * K, 2)
    f_scales = jnp.concatenate([f4, f8, f16, f32], axis=1)[0]
    q_top_k = jnp.broadcast_to(q_t[0][:, None, :], (N_t, K, D)).reshape(N_t * K, D)
    emats = _sel_mats()
    tables = [_build_table(f_scales, lp, emats) for lp in params['layers']]
    for lp, table in zip(params['layers'], tables):
        q_top_k = _dmsmha_block(lp, q_top_k, table, refxy)
    fused, logits = _fusion(q_top_k, q_t[0], params)
    u_logit = logits[:, 0].reshape(1, N_t, K)
    s_logit = logits[:, 1].reshape(1, N_t, K)
    q_f = _mha_final(fused, q_t[0], params)
    return (q_f.reshape(1, N_t, D), p_patch, u_logit, s_logit)

# --- scband reference (transcript-rebuilt; emitter-appended) ---
"""Pipeline reference for scband-rerank-module-72138270703657 (READ-ONLY COPY).

The authoritative reference and input builder live on the scoring server;
editing this copy changes nothing except your own understanding.
"""

import jax, jax.numpy as jnp
import numpy as np

K = 32
D = 128
NHEAD = 8
DH = D // NHEAD
H_IMG, W_IMG = 512, 512
STRIDE = 4
HF, WF = H_IMG // STRIDE, W_IMG // STRIDE
P = HF * WF
NUM_LEVEL = 4
N_POINTS = 4
N_LAYERS = 2
N_T = 512
DFF = 2 * D
SHAPES = [(HF, WF), (HF // 2, WF // 2), (HF // 4, WF // 4), (HF // 8, WF // 8)]
STARTS = [0, P, P + P // 4, P + P // 4 + P // 16]


def _dense(k, fan_in, shape):
    return jax.random.normal(k, shape, dtype=jnp.float32) * (1.0 / np.sqrt(fan_in))


def make_params(key):
    ks = iter(jax.random.split(key, 64))
    layers = []
    for _ in range(N_LAYERS):
        layers.append({
            'W_off': _dense(next(ks), D, (D, NHEAD * NUM_LEVEL * N_POINTS * 2)) * 0.01,
            'b_off': jnp.zeros((NHEAD * NUM_LEVEL * N_POINTS * 2,), jnp.float32),
            'W_attn': _dense(next(ks), D, (D, NHEAD * NUM_LEVEL * N_POINTS)),
            'b_attn': jnp.zeros((NHEAD * NUM_LEVEL * N_POINTS,), jnp.float32),
            'W_val': _dense(next(ks), D, (D, D)),
            'b_val': jnp.zeros((D,), jnp.float32),
            'W_out': _dense(next(ks), D, (D, D)),
            'b_out': jnp.zeros((D,), jnp.float32),
            'ln1_g': jnp.ones((D,), jnp.float32), 'ln1_b': jnp.zeros((D,), jnp.float32),
            'ffn_w1': _dense(next(ks), D, (D, DFF)), 'ffn_b1': jnp.zeros((DFF,), jnp.float32),
            'ffn_w2': _dense(next(ks), DFF, (DFF, D)), 'ffn_b2': jnp.zeros((D,), jnp.float32),
            'ln2_g': jnp.ones((D,), jnp.float32), 'ln2_b': jnp.zeros((D,), jnp.float32),
        })
    return {
        'layers': layers,
        'fus_Wq': _dense(next(ks), D, (D, D)), 'fus_Wk': _dense(next(ks), D, (D, D)),
        'fus_Wv': _dense(next(ks), D, (D, D)), 'fus_Wo': _dense(next(ks), D, (D, D)),
        'fus_bo': jnp.zeros((D,), jnp.float32),
        'fus_ln_g': jnp.ones((D,), jnp.float32), 'fus_ln_b': jnp.zeros((D,), jnp.float32),
        'W_fusion': _dense(next(ks), 2 * D, (2 * D, D)), 'b_fusion': jnp.zeros((D,), jnp.float32),
        'W_final': _dense(next(ks), 2 * D, (2 * D, D)), 'b_final': jnp.zeros((D,), jnp.float32),
        'w_cert': _dense(next(ks), D, (D,)), 'b_cert': jnp.zeros((), jnp.float32),
        'w_score': _dense(next(ks), D, (D,)), 'b_score': jnp.zeros((), jnp.float32),
    }


def layer_norm(x, g, b):
    mu = jnp.mean(x, axis=-1, keepdims=True)
    var = jnp.var(x, axis=-1, keepdims=True)
    return (x - mu) / jnp.sqrt(var + 1e-5) * g + b


def bilinear_gather(feat, Hl, Wl, x, y):
    # feat: [NHEAD, Hl*Wl, DH]; x, y: [NHEAD, M, N_POINTS] pixel coords
    x0 = jnp.floor(x); y0 = jnp.floor(y)
    wx = x - x0; wy = y - y0
    x0i = jnp.clip(x0.astype(jnp.int32), 0, Wl - 1)
    x1i = jnp.clip(x0i + 1, 0, Wl - 1)
    y0i = jnp.clip(y0.astype(jnp.int32), 0, Hl - 1)
    y1i = jnp.clip(y0i + 1, 0, Hl - 1)
    gather = jax.vmap(lambda f, i: f[i])
    v00 = gather(feat, y0i * Wl + x0i)
    v01 = gather(feat, y0i * Wl + x1i)
    v10 = gather(feat, y1i * Wl + x0i)
    v11 = gather(feat, y1i * Wl + x1i)
    return (v00 * ((1 - wx) * (1 - wy))[..., None] + v01 * (wx * (1 - wy))[..., None]
            + v10 * ((1 - wx) * wy)[..., None] + v11 * (wx * wy)[..., None])


def dmsmha_block(pl, q, kv, ref):
    # q: [M, D]; kv: [P_total, D]; ref: [M, NUM_LEVEL, 2] normalized (x, y)
    M = q.shape[0]
    v = (kv @ pl['W_val'] + pl['b_val']).reshape(-1, NHEAD, DH)
    off = (q @ pl['W_off'] + pl['b_off']).reshape(M, NHEAD, NUM_LEVEL, N_POINTS, 2)
    attn = (q @ pl['W_attn'] + pl['b_attn']).reshape(M, NHEAD, NUM_LEVEL * N_POINTS)
    attn = jax.nn.softmax(attn, axis=-1).reshape(M, NHEAD, NUM_LEVEL, N_POINTS)
    out = jnp.zeros((NHEAD, M, DH), jnp.float32)
    for l in range(NUM_LEVEL):
        Hl, Wl = SHAPES[l]
        s = STARTS[l]
        scale = jnp.array([Wl, Hl], jnp.float32)
        locs = ref[:, None, l, None, :] + off[:, :, l, :, :] / scale
        x = (locs[..., 0] * Wl - 0.5).transpose(1, 0, 2)
        y = (locs[..., 1] * Hl - 0.5).transpose(1, 0, 2)
        feat = v[s:s + Hl * Wl].transpose(1, 0, 2)
        sampled = bilinear_gather(feat, Hl, Wl, x, y)
        w = attn[:, :, l, :].transpose(1, 0, 2)
        out = out + jnp.sum(sampled * w[..., None], axis=2)
    out = out.transpose(1, 0, 2).reshape(M, D) @ pl['W_out'] + pl['b_out']
    q = layer_norm(q + out, pl['ln1_g'], pl['ln1_b'])
    ff = jax.nn.relu(q @ pl['ffn_w1'] + pl['ffn_b1']) @ pl['ffn_w2'] + pl['ffn_b2']
    return layer_norm(q + ff, pl['ln2_g'], pl['ln2_b'])


def mha_block(p, q, k, v):
    # q: [N, 1, D]; k, v: [N, K, D]
    N = q.shape[0]
    qh = (q @ p['fus_Wq']).reshape(N, 1, NHEAD, DH).transpose(0, 2, 1, 3)
    kh = (k @ p['fus_Wk']).reshape(N, -1, NHEAD, DH).transpose(0, 2, 1, 3)
    vh = (v @ p['fus_Wv']).reshape(N, -1, NHEAD, DH).transpose(0, 2, 1, 3)
    logits = jnp.einsum('nhqd,nhkd->nhqk', qh, kh) / np.sqrt(DH)
    a = jax.nn.softmax(logits, axis=-1)
    o = jnp.einsum('nhqk,nhkd->nhqd', a, vh).transpose(0, 2, 1, 3).reshape(N, 1, D)
    o = o @ p['fus_Wo'] + p['fus_bo']
    return layer_norm(q + o, p['fus_ln_g'], p['fus_ln_b'])


def forward(q_t, f4, f8, f16, f32, c_t, params):
    N_t = q_t.shape[1]
    top_k_idx = jax.lax.top_k(c_t, K)[1]  # [1, N_t, K]
    wcol = (top_k_idx % WF).astype(jnp.float32)
    hrow = (top_k_idx // WF).astype(jnp.float32)
    p_patch = jnp.stack([wcol, hrow], axis=-1) * STRIDE + STRIDE / 2.0  # [1, N_t, K, 2]
    norm = jnp.clip(p_patch / jnp.array([W_IMG, H_IMG], jnp.float32), 0.0, 1.0)
    ref = jnp.broadcast_to(norm.reshape(N_t * K, 1, 2), (N_t * K, NUM_LEVEL, 2))
    f_scales = jnp.concatenate([f4, f8, f16, f32], axis=1)[0]
    q_top_k = jnp.broadcast_to(q_t[0][:, None, :], (N_t, K, D)).reshape(N_t * K, D)
    for pl in params['layers']:
        q_top_k = dmsmha_block(pl, q_top_k, f_scales, ref)
    q_top_k = q_top_k.reshape(1, N_t, K, D)
    q_cat = jnp.concatenate([q_top_k, jnp.broadcast_to(q_t[:, :, None, :], (1, N_t, K, D))], axis=-1)
    q_top_k = q_cat @ params['W_fusion'] + params['b_fusion']
    u_logit = q_top_k @ params['w_cert'] + params['b_cert']  # [1, N_t, K]
    s_logit = q_top_k @ params['w_score'] + params['b_score']
    q_tk = q_top_k.reshape(N_t, K, D)
    q_init = q_t.reshape(N_t, 1, D)
    q_f = mha_block(params, q_init, q_tk, q_tk)
    q_f = jnp.concatenate([q_f, q_init], axis=-1) @ params['W_final'] + params['b_final']
    return (q_f.reshape(1, N_t, D), p_patch, u_logit, s_logit)


def setup_inputs(seed: int = 0):
    key = jax.random.key(seed)
    ks = jax.random.split(key, 8)
    return {
        'q_t': jax.random.normal(ks[0], (1, N_T, D), jnp.float32),
        'f4': jax.random.normal(ks[1], (1, P, D), jnp.float32),
        'f8': jax.random.normal(ks[2], (1, P // 4, D), jnp.float32),
        'f16': jax.random.normal(ks[3], (1, P // 16, D), jnp.float32),
        'f32': jax.random.normal(ks[4], (1, P // 64, D), jnp.float32),
        'c_t': jax.random.normal(ks[5], (1, N_T, P), jnp.float32),
        'params': make_params(ks[6]),
    }


def reference(q_t, f4, f8, f16, f32, c_t, params):
    return forward(q_t, f4, f8, f16, f32, c_t, params)

if __name__ == "__main__":
    import jax
    _d = setup_inputs()
    print(jax.jit(kernel)(*tuple(_d.values())))

</pallas_src>

<mosaic_0001>
#map = affine_map<(d0, d1) -> (0, 0)>
#map1 = affine_map<(d0, d1) -> (0)>
module attributes {stable_mosaic.version = 14 : i64} {
  func.func @gk(%arg0: i32, %arg1: i32, %arg2: memref<175168x128xf32, #tpu.memory_space<hbm>>, %arg3: memref<2097152xi32, #tpu.memory_space<hbm>>, %arg4: memref<2097152x128xf32, #tpu.memory_space<hbm>>, %arg5: memref<128xi32, #tpu.memory_space<vmem>>, %arg6: memref<128xi32, #tpu.memory_space<vmem>>, %arg7: memref<128x128xf32, #tpu.memory_space<vmem>>, %arg8: memref<128x128xf32, #tpu.memory_space<vmem>>, %arg9: memref<!tpu.dma_semaphore, #tpu.memory_space<semaphore_mem>>, %arg10: memref<!tpu.dma_semaphore, #tpu.memory_space<semaphore_mem>>) attributes {dimension_semantics = [#tpu.dimension_semantics<core_parallel>, #tpu.dimension_semantics<subcore_parallel>], iteration_bounds = array<i64: 2, 16>, scalar_prefetch = 0 : i64, scratch_operands = 6 : i64, tpu.core_type = #tpu.core_type<sc_vector_subcore>, window_params = [{transform_indices = #map}, {transform_indices = #map1}, {transform_indices = #map}]} {
    %mul3A = arith.constant 2 : i32
    %mul3A_0 = arith.muli %arg1, %mul3A : i32
    %add3A = arith.addi %mul3A_0, %arg0 : i32
    %mul3A_1 = arith.constant 65536 : i32
    %mul3A_2 = arith.muli %add3A, %mul3A_1 : i32
    "tpu.region"() ({
      %run_scoped3A = tpu.sem_alloc : memref<!tpu.dma_semaphore, #tpu.memory_space<semaphore_mem>>
      %dma_start3A_10 = tpu.memref_slice %arg3[%mul3A_2] : memref<2097152xi32, #tpu.memory_space<hbm>> -> memref<128xi32, #tpu.memory_space<hbm>>
      %dma_start3A_11 = tpu.memref_slice %arg3[%mul3A_2] : memref<2097152xi32, #tpu.memory_space<hbm>> -> memref<128xi32, #tpu.memory_space<hbm>>
      tpu.enqueue_dma source(%dma_start3A_11 : memref<128xi32, #tpu.memory_space<hbm>>) target(%arg5 : memref<128xi32, #tpu.memory_space<vmem>>) target_semaphore(%run_scoped3A : memref<!tpu.dma_semaphore, #tpu.memory_space<semaphore_mem>>)
      %dma_wait3A = tpu.memref_slice %arg3[%mul3A_2] : memref<2097152xi32, #tpu.memory_space<hbm>> -> memref<128xi32, #tpu.memory_space<hbm>>
      %dma_wait3A_12 = tpu.memref_slice %arg3[%mul3A_2] : memref<2097152xi32, #tpu.memory_space<hbm>> -> memref<128xi32, #tpu.memory_space<hbm>>
      tpu.wait_dma2 semaphore(%run_scoped3A : memref<!tpu.dma_semaphore, #tpu.memory_space<semaphore_mem>>) src(%dma_wait3A_12 : memref<128xi32, #tpu.memory_space<hbm>>) dst(%arg5 : memref<128xi32, #tpu.memory_space<vmem>>)
      tpu.yield
    }) : () -> ()
    %dma_start3A = arith.constant 0 : i32
    %dma_start3A_3 = arith.constant 0 : i32
    %dma_start3A_4 = tpu.memref_slice %arg2[%dma_start3A, %dma_start3A_3] : memref<175168x128xf32, #tpu.memory_space<hbm>> -> memref<175168x128xf32, #tpu.memory_space<hbm>>
    tpu.enqueue_indirect_dma source(%dma_start3A_4 : memref<175168x128xf32, #tpu.memory_space<hbm>>) target(%arg7 : memref<128x128xf32, #tpu.memory_space<vmem>>) offsets(%arg5 : memref<128xi32, #tpu.memory_space<vmem>>) semaphore(%arg9 : memref<!tpu.dma_semaphore, #tpu.memory_space<semaphore_mem>>)
    %scan3A = arith.constant 0 : i32
    %scan3A_5 = arith.constant 0 : i32
    %scan3A_6 = arith.constant 256 : i32
    %scan3A_7 = arith.addi %scan3A_5, %scan3A_6 : i32
    %scan3A_8 = arith.constant 1 : i32
    scf.for %scan3A_10 = %scan3A_5 to %scan3A_7 step %scan3A_8  : i32 {
      %mul3A_11 = arith.constant 2 : i32
      %mul3A_12 = arith.muli %mul3A_11, %scan3A_10 : i32
      %mul3A_13 = arith.constant 128 : i32
      %mul3A_14 = arith.muli %mul3A_12, %mul3A_13 : i32
      %add3A_15 = arith.addi %mul3A_2, %mul3A_14 : i32
      %add3A_16 = arith.constant 128 : i32
      %add3A_17 = arith.addi %add3A_15, %add3A_16 : i32
      "tpu.region"() ({
        %run_scoped3A = tpu.sem_alloc : memref<!tpu.dma_semaphore, #tpu.memory_space<semaphore_mem>>
        %dma_start3A_28 = tpu.memref_slice %arg3[%add3A_17] : memref<2097152xi32, #tpu.memory_space<hbm>> -> memref<128xi32, #tpu.memory_space<hbm>>
        %dma_start3A_29 = tpu.memref_slice %arg3[%add3A_17] : memref<2097152xi32, #tpu.memory_space<hbm>> -> memref<128xi32, #tpu.memory_space<hbm>>
        tpu.enqueue_dma source(%dma_start3A_29 : memref<128xi32, #tpu.memory_space<hbm>>) target(%arg6 : memref<128xi32, #tpu.memory_space<vmem>>) target_semaphore(%run_scoped3A : memref<!tpu.dma_semaphore, #tpu.memory_space<semaphore_mem>>)
        %dma_wait3A_30 = tpu.memref_slice %arg3[%add3A_17] : memref<2097152xi32, #tpu.memory_space<hbm>> -> memref<128xi32, #tpu.memory_space<hbm>>
        %dma_wait3A_31 = tpu.memref_slice %arg3[%add3A_17] : memref<2097152xi32, #tpu.memory_space<hbm>> -> memref<128xi32, #tpu.memory_space<hbm>>
        tpu.wait_dma2 semaphore(%run_scoped3A : memref<!tpu.dma_semaphore, #tpu.memory_space<semaphore_mem>>) src(%dma_wait3A_31 : memref<128xi32, #tpu.memory_space<hbm>>) dst(%arg6 : memref<128xi32, #tpu.memory_space<vmem>>)
        tpu.yield
      }) : () -> ()
      %dma_start3A_18 = arith.constant 0 : i32
      %dma_start3A_19 = arith.constant 0 : i32
      %dma_start3A_20 = tpu.memref_slice %arg2[%dma_start3A_18, %dma_start3A_19] : memref<175168x128xf32, #tpu.memory_space<hbm>> -> memref<175168x128xf32, #tpu.memory_space<hbm>>
      tpu.enqueue_indirect_dma source(%dma_start3A_20 : memref<175168x128xf32, #tpu.memory_space<hbm>>) target(%arg8 : memref<128x128xf32, #tpu.memory_space<vmem>>) offsets(%arg6 : memref<128xi32, #tpu.memory_space<vmem>>) semaphore(%arg10 : memref<!tpu.dma_semaphore, #tpu.memory_space<semaphore_mem>>)
      %dma_wait3A = arith.constant 0 : i32
      %dma_wait3A_21 = arith.constant 0 : i32
      %dma_wait3A_22 = tpu.memref_slice %arg2[%dma_wait3A, %dma_wait3A_21] : memref<175168x128xf32, #tpu.memory_space<hbm>> -> memref<175168x128xf32, #tpu.memory_space<hbm>>
      tpu.wait_indirect_dma semaphore(%arg9 : memref<!tpu.dma_semaphore, #tpu.memory_space<semaphore_mem>>) src(%dma_wait3A_22 : memref<175168x128xf32, #tpu.memory_space<hbm>>) dst(%arg7 : memref<128x128xf32, #tpu.memory_space<vmem>>)
      "tpu.region"() ({
        %run_scoped3A = tpu.sem_alloc : memref<!tpu.dma_semaphore, #tpu.memory_space<semaphore_mem>>
        %dma_start3A_28 = arith.constant 0 : i32
        %dma_start3A_29 = tpu.memref_slice %arg4[%add3A_15, %dma_start3A_28] : memref<2097152x128xf32, #tpu.memory_space<hbm>> -> memref<128x128xf32, #tpu.memory_space<hbm>>
        %dma_start3A_30 = arith.constant 0 : i32
        %dma_start3A_31 = tpu.memref_slice %arg4[%add3A_15, %dma_start3A_30] : memref<2097152x128xf32, #tpu.memory_space<hbm>> -> memref<128x128xf32, #tpu.memory_space<hbm>>
        tpu.enqueue_dma source(%arg7 : memref<128x128xf32, #tpu.memory_space<vmem>>) target(%dma_start3A_31 : memref<128x128xf32, #tpu.memory_space<hbm>>) target_semaphore(%run_scoped3A : memref<!tpu.dma_semaphore, #tpu.memory_space<semaphore_mem>>)
        %dma_wait3A_32 = arith.constant 0 : i32
        %dma_wait3A_33 = tpu.memref_slice %arg4[%add3A_15, %dma_wait3A_32] : memref<2097152x128xf32, #tpu.memory_space<hbm>> -> memref<128x128xf32, #tpu.memory_space<hbm>>
        %dma_wait3A_34 = arith.constant 0 : i32
        %dma_wait3A_35 = tpu.memref_slice %arg4[%add3A_15, %dma_wait3A_34] : memref<2097152x128xf32, #tpu.memory_space<hbm>> -> memref<128x128xf32, #tpu.memory_space<hbm>>
        tpu.wait_dma2 semaphore(%run_scoped3A : memref<!tpu.dma_semaphore, #tpu.memory_space<semaphore_mem>>) src(%arg7 : memref<128x128xf32, #tpu.memory_space<vmem>>) dst(%dma_wait3A_35 : memref<128x128xf32, #tpu.memory_space<hbm>>)
        tpu.yield
      }) : () -> ()
      %lt3A = arith.constant 255 : i32
      %lt3A_23 = arith.cmpi slt, %scan3A_10, %lt3A : i32
      %convert_element_type3A = arith.extui %lt3A_23 : i1 to i32
      %cond3A = arith.constant 0 : i32
      %cond3A_24 = arith.cmpi ne, %convert_element_type3A, %cond3A : i32
      scf.if %cond3A_24 {
        %add3A_28 = arith.constant 256 : i32
        %add3A_29 = arith.addi %add3A_15, %add3A_28 : i32
        "tpu.region"() ({
          %run_scoped3A = tpu.sem_alloc : memref<!tpu.dma_semaphore, #tpu.memory_space<semaphore_mem>>
          %dma_start3A_33 = tpu.memref_slice %arg3[%add3A_29] : memref<2097152xi32, #tpu.memory_space<hbm>> -> memref<128xi32, #tpu.memory_space<hbm>>
          %dma_start3A_34 = tpu.memref_slice %arg3[%add3A_29] : memref<2097152xi32, #tpu.memory_space<hbm>> -> memref<128xi32, #tpu.memory_space<hbm>>
          tpu.enqueue_dma source(%dma_start3A_34 : memref<128xi32, #tpu.memory_space<hbm>>) target(%arg5 : memref<128xi32, #tpu.memory_space<vmem>>) target_semaphore(%run_scoped3A : memref<!tpu.dma_semaphore, #tpu.memory_space<semaphore_mem>>)
          %dma_wait3A_35 = tpu.memref_slice %arg3[%add3A_29] : memref<2097152xi32, #tpu.memory_space<hbm>> -> memref<128xi32, #tpu.memory_space<hbm>>
          %dma_wait3A_36 = tpu.memref_slice %arg3[%add3A_29] : memref<2097152xi32, #tpu.memory_space<hbm>> -> memref<128xi32, #tpu.memory_space<hbm>>
          tpu.wait_dma2 semaphore(%run_scoped3A : memref<!tpu.dma_semaphore, #tpu.memory_space<semaphore_mem>>) src(%dma_wait3A_36 : memref<128xi32, #tpu.memory_space<hbm>>) dst(%arg5 : memref<128xi32, #tpu.memory_space<vmem>>)
          tpu.yield
        }) : () -> ()
        %dma_start3A_30 = arith.constant 0 : i32
        %dma_start3A_31 = arith.constant 0 : i32
        %dma_start3A_32 = tpu.memref_slice %arg2[%dma_start3A_30, %dma_start3A_31] : memref<175168x128xf32, #tpu.memory_space<hbm>> -> memref<175168x128xf32, #tpu.memory_space<hbm>>
        tpu.enqueue_indirect_dma source(%dma_start3A_32 : memref<175168x128xf32, #tpu.memory_space<hbm>>) target(%arg7 : memref<128x128xf32, #tpu.memory_space<vmem>>) offsets(%arg5 : memref<128xi32, #tpu.memory_space<vmem>>) semaphore(%arg9 : memref<!tpu.dma_semaphore, #tpu.memory_space<semaphore_mem>>)
      } else {
      }
      %dma_wait3A_25 = arith.constant 0 : i32
      %dma_wait3A_26 = arith.constant 0 : i32
      %dma_wait3A_27 = tpu.memref_slice %arg2[%dma_wait3A_25, %dma_wait3A_26] : memref<175168x128xf32, #tpu.memory_space<hbm>> -> memref<175168x128xf32, #tpu.memory_space<hbm>>
      tpu.wait_indirect_dma semaphore(%arg10 : memref<!tpu.dma_semaphore, #tpu.memory_space<semaphore_mem>>) src(%dma_wait3A_27 : memref<175168x128xf32, #tpu.memory_space<hbm>>) dst(%arg8 : memref<128x128xf32, #tpu.memory_space<vmem>>)
      "tpu.region"() ({
        %run_scoped3A = tpu.sem_alloc : memref<!tpu.dma_semaphore, #tpu.memory_space<semaphore_mem>>
        %dma_start3A_28 = arith.constant 0 : i32
        %dma_start3A_29 = tpu.memref_slice %arg4[%add3A_17, %dma_start3A_28] : memref<2097152x128xf32, #tpu.memory_space<hbm>> -> memref<128x128xf32, #tpu.memory_space<hbm>>
        %dma_start3A_30 = arith.constant 0 : i32
        %dma_start3A_31 = tpu.memref_slice %arg4[%add3A_17, %dma_start3A_30] : memref<2097152x128xf32, #tpu.memory_space<hbm>> -> memref<128x128xf32, #tpu.memory_space<hbm>>
        tpu.enqueue_dma source(%arg8 : memref<128x128xf32, #tpu.memory_space<vmem>>) target(%dma_start3A_31 : memref<128x128xf32, #tpu.memory_space<hbm>>) target_semaphore(%run_scoped3A : memref<!tpu.dma_semaphore, #tpu.memory_space<semaphore_mem>>)
        %dma_wait3A_32 = arith.constant 0 : i32
        %dma_wait3A_33 = tpu.memref_slice %arg4[%add3A_17, %dma_wait3A_32] : memref<2097152x128xf32, #tpu.memory_space<hbm>> -> memref<128x128xf32, #tpu.memory_space<hbm>>
        %dma_wait3A_34 = arith.constant 0 : i32
        %dma_wait3A_35 = tpu.memref_slice %arg4[%add3A_17, %dma_wait3A_34] : memref<2097152x128xf32, #tpu.memory_space<hbm>> -> memref<128x128xf32, #tpu.memory_space<hbm>>
        tpu.wait_dma2 semaphore(%run_scoped3A : memref<!tpu.dma_semaphore, #tpu.memory_space<semaphore_mem>>) src(%arg8 : memref<128x128xf32, #tpu.memory_space<vmem>>) dst(%dma_wait3A_35 : memref<128x128xf32, #tpu.memory_space<hbm>>)
        tpu.yield
      }) : () -> ()
    }
    %scan3A_9 = arith.constant 256 : i32
    return
  }
}

#map = affine_map<(d0, d1) -> (0, 0)>
#map1 = affine_map<(d0, d1) -> (0)>
module attributes {stable_mosaic.version = 14 : i64} {
  func.func @gk(%arg0: i32, %arg1: i32, %arg2: memref<175168x128xf32, #tpu.memory_space<hbm>>, %arg3: memref<2097152xi32, #tpu.memory_space<hbm>>, %arg4: memref<2097152x128xf32, #tpu.memory_space<hbm>>, %arg5: memref<128xi32, #tpu.memory_space<vmem>>, %arg6: memref<128xi32, #tpu.memory_space<vmem>>, %arg7: memref<128x128xf32, #tpu.memory_space<vmem>>, %arg8: memref<128x128xf32, #tpu.memory_space<vmem>>, %arg9: memref<!tpu.dma_semaphore, #tpu.memory_space<semaphore_mem>>, %arg10: memref<!tpu.dma_semaphore, #tpu.memory_space<semaphore_mem>>) attributes {dimension_semantics = [#tpu.dimension_semantics<core_parallel>, #tpu.dimension_semantics<subcore_parallel>], iteration_bounds = array<i64: 2, 16>, scalar_prefetch = 0 : i64, scratch_operands = 6 : i64, tpu.core_type = #tpu.core_type<sc_vector_subcore>, window_params = [{transform_indices = #map}, {transform_indices = #map1}, {transform_indices = #map}]} {
    %mul3A = arith.constant 2 : i32
    %mul3A_0 = arith.muli %arg1, %mul3A : i32
    %add3A = arith.addi %mul3A_0, %arg0 : i32
    %mul3A_1 = arith.constant 65536 : i32
    %mul3A_2 = arith.muli %add3A, %mul3A_1 : i32
    "tpu.region"() ({
      %run_scoped3A = tpu.sem_alloc : memref<!tpu.dma_semaphore, #tpu.memory_space<semaphore_mem>>
      %dma_start3A_10 = tpu.memref_slice %arg3[%mul3A_2] : memref<2097152xi32, #tpu.memory_space<hbm>> -> memref<128xi32, #tpu.memory_space<hbm>>
      %dma_start3A_11 = tpu.memref_slice %arg3[%mul3A_2] : memref<2097152xi32, #tpu.memory_space<hbm>> -> memref<128xi32, #tpu.memory_space<hbm>>
      tpu.enqueue_dma source(%dma_start3A_11 : memref<128xi32, #tpu.memory_space<hbm>>) target(%arg5 : memref<128xi32, #tpu.memory_space<vmem>>) target_semaphore(%run_scoped3A : memref<!tpu.dma_semaphore, #tpu.memory_space<semaphore_mem>>)
      %dma_wait3A = tpu.memref_slice %arg3[%mul3A_2] : memref<2097152xi32, #tpu.memory_space<hbm>> -> memref<128xi32, #tpu.memory_space<hbm>>
      %dma_wait3A_12 = tpu.memref_slice %arg3[%mul3A_2] : memref<2097152xi32, #tpu.memory_space<hbm>> -> memref<128xi32, #tpu.memory_space<hbm>>
      tpu.wait_dma2 semaphore(%run_scoped3A : memref<!tpu.dma_semaphore, #tpu.memory_space<semaphore_mem>>) src(%dma_wait3A_12 : memref<128xi32, #tpu.memory_space<hbm>>) dst(%arg5 : memref<128xi32, #tpu.memory_space<vmem>>)
      tpu.yield
    }) : () -> ()
    %dma_start3A = arith.constant 0 : i32
    %dma_start3A_3 = arith.constant 0 : i32
    %dma_start3A_4 = tpu.memref_slice %arg2[%dma_start3A, %dma_start3A_3] : memref<175168x128xf32, #tpu.memory_space<hbm>> -> memref<175168x128xf32, #tpu.memory_space<hbm>>
    tpu.enqueue_indirect_dma source(%dma_start3A_4 : memref<175168x128xf32, #tpu.memory_space<hbm>>) target(%arg7 : memref<128x128xf32, #tpu.memory_space<vmem>>) offsets(%arg5 : memref<128xi32, #tpu.memory_space<vmem>>) semaphore(%arg9 : memref<!tpu.dma_semaphore, #tpu.memory_space<semaphore_mem>>)
    %scan3A = arith.constant 0 : i32
    %scan3A_5 = arith.constant 0 : i32
    %scan3A_6 = arith.constant 256 : i32
    %scan3A_7 = arith.addi %scan3A_5, %scan3A_6 : i32
    %scan3A_8 = arith.constant 1 : i32
    scf.for %scan3A_10 = %scan3A_5 to %scan3A_7 step %scan3A_8  : i32 {
      %mul3A_11 = arith.constant 2 : i32
      %mul3A_12 = arith.muli %mul3A_11, %scan3A_10 : i32
      %mul3A_13 = arith.constant 128 : i32
      %mul3A_14 = arith.muli %mul3A_12, %mul3A_13 : i32
      %add3A_15 = arith.addi %mul3A_2, %mul3A_14 : i32
      %add3A_16 = arith.constant 128 : i32
      %add3A_17 = arith.addi %add3A_15, %add3A_16 : i32
      "tpu.region"() ({
        %run_scoped3A = tpu.sem_alloc : memref<!tpu.dma_semaphore, #tpu.memory_space<semaphore_mem>>
        %dma_start3A_28 = tpu.memref_slice %arg3[%add3A_17] : memref<2097152xi32, #tpu.memory_space<hbm>> -> memref<128xi32, #tpu.memory_space<hbm>>
        %dma_start3A_29 = tpu.memref_slice %arg3[%add3A_17] : memref<2097152xi32, #tpu.memory_space<hbm>> -> memref<128xi32, #tpu.memory_space<hbm>>
        tpu.enqueue_dma source(%dma_start3A_29 : memref<128xi32, #tpu.memory_space<hbm>>) target(%arg6 : memref<128xi32, #tpu.memory_space<vmem>>) target_semaphore(%run_scoped3A : memref<!tpu.dma_semaphore, #tpu.memory_space<semaphore_mem>>)
        %dma_wait3A_30 = tpu.memref_slice %arg3[%add3A_17] : memref<2097152xi32, #tpu.memory_space<hbm>> -> memref<128xi32, #tpu.memory_space<hbm>>
        %dma_wait3A_31 = tpu.memref_slice %arg3[%add3A_17] : memref<2097152xi32, #tpu.memory_space<hbm>> -> memref<128xi32, #tpu.memory_space<hbm>>
        tpu.wait_dma2 semaphore(%run_scoped3A : memref<!tpu.dma_semaphore, #tpu.memory_space<semaphore_mem>>) src(%dma_wait3A_31 : memref<128xi32, #tpu.memory_space<hbm>>) dst(%arg6 : memref<128xi32, #tpu.memory_space<vmem>>)
        tpu.yield
      }) : () -> ()
      %dma_start3A_18 = arith.constant 0 : i32
      %dma_start3A_19 = arith.constant 0 : i32
      %dma_start3A_20 = tpu.memref_slice %arg2[%dma_start3A_18, %dma_start3A_19] : memref<175168x128xf32, #tpu.memory_space<hbm>> -> memref<175168x128xf32, #tpu.memory_space<hbm>>
      tpu.enqueue_indirect_dma source(%dma_start3A_20 : memref<175168x128xf32, #tpu.memory_space<hbm>>) target(%arg8 : memref<128x128xf32, #tpu.memory_space<vmem>>) offsets(%arg6 : memref<128xi32, #tpu.memory_space<vmem>>) semaphore(%arg10 : memref<!tpu.dma_semaphore, #tpu.memory_space<semaphore_mem>>)
      %dma_wait3A = arith.constant 0 : i32
      %dma_wait3A_21 = arith.constant 0 : i32
      %dma_wait3A_22 = tpu.memref_slice %arg2[%dma_wait3A, %dma_wait3A_21] : memref<175168x128xf32, #tpu.memory_space<hbm>> -> memref<175168x128xf32, #tpu.memory_space<hbm>>
      tpu.wait_indirect_dma semaphore(%arg9 : memref<!tpu.dma_semaphore, #tpu.memory_space<semaphore_mem>>) src(%dma_wait3A_22 : memref<175168x128xf32, #tpu.memory_space<hbm>>) dst(%arg7 : memref<128x128xf32, #tpu.memory_space<vmem>>)
      "tpu.region"() ({
        %run_scoped3A = tpu.sem_alloc : memref<!tpu.dma_semaphore, #tpu.memory_space<semaphore_mem>>
        %dma_start3A_28 = arith.constant 0 : i32
        %dma_start3A_29 = tpu.memref_slice %arg4[%add3A_15, %dma_start3A_28] : memref<2097152x128xf32, #tpu.memory_space<hbm>> -> memref<128x128xf32, #tpu.memory_space<hbm>>
        %dma_start3A_30 = arith.constant 0 : i32
        %dma_start3A_31 = tpu.memref_slice %arg4[%add3A_15, %dma_start3A_30] : memref<2097152x128xf32, #tpu.memory_space<hbm>> -> memref<128x128xf32, #tpu.memory_space<hbm>>
        tpu.enqueue_dma source(%arg7 : memref<128x128xf32, #tpu.memory_space<vmem>>) target(%dma_start3A_31 : memref<128x128xf32, #tpu.memory_space<hbm>>) target_semaphore(%run_scoped3A : memref<!tpu.dma_semaphore, #tpu.memory_space<semaphore_mem>>)
        %dma_wait3A_32 = arith.constant 0 : i32
        %dma_wait3A_33 = tpu.memref_slice %arg4[%add3A_15, %dma_wait3A_32] : memref<2097152x128xf32, #tpu.memory_space<hbm>> -> memref<128x128xf32, #tpu.memory_space<hbm>>
        %dma_wait3A_34 = arith.constant 0 : i32
        %dma_wait3A_35 = tpu.memref_slice %arg4[%add3A_15, %dma_wait3A_34] : memref<2097152x128xf32, #tpu.memory_space<hbm>> -> memref<128x128xf32, #tpu.memory_space<hbm>>
        tpu.wait_dma2 semaphore(%run_scoped3A : memref<!tpu.dma_semaphore, #tpu.memory_space<semaphore_mem>>) src(%arg7 : memref<128x128xf32, #tpu.memory_space<vmem>>) dst(%dma_wait3A_35 : memref<128x128xf32, #tpu.memory_space<hbm>>)
        tpu.yield
      }) : () -> ()
      %lt3A = arith.constant 255 : i32
      %lt3A_23 = arith.cmpi slt, %scan3A_10, %lt3A : i32
      %convert_element_type3A = arith.extui %lt3A_23 : i1 to i32
      %cond3A = arith.constant 0 : i32
      %cond3A_24 = arith.cmpi ne, %convert_element_type3A, %cond3A : i32
      scf.if %cond3A_24 {
        %add3A_28 = arith.constant 256 : i32
        %add3A_29 = arith.addi %add3A_15, %add3A_28 : i32
        "tpu.region"() ({
          %run_scoped3A = tpu.sem_alloc : memref<!tpu.dma_semaphore, #tpu.memory_space<semaphore_mem>>
          %dma_start3A_33 = tpu.memref_slice %arg3[%add3A_29] : memref<2097152xi32, #tpu.memory_space<hbm>> -> memref<128xi32, #tpu.memory_space<hbm>>
          %dma_start3A_34 = tpu.memref_slice %arg3[%add3A_29] : memref<2097152xi32, #tpu.memory_space<hbm>> -> memref<128xi32, #tpu.memory_space<hbm>>
          tpu.enqueue_dma source(%dma_start3A_34 : memref<128xi32, #tpu.memory_space<hbm>>) target(%arg5 : memref<128xi32, #tpu.memory_space<vmem>>) target_semaphore(%run_scoped3A : memref<!tpu.dma_semaphore, #tpu.memory_space<semaphore_mem>>)
          %dma_wait3A_35 = tpu.memref_slice %arg3[%add3A_29] : memref<2097152xi32, #tpu.memory_space<hbm>> -> memref<128xi32, #tpu.memory_space<hbm>>
          %dma_wait3A_36 = tpu.memref_slice %arg3[%add3A_29] : memref<2097152xi32, #tpu.memory_space<hbm>> -> memref<128xi32, #tpu.memory_space<hbm>>
          tpu.wait_dma2 semaphore(%run_scoped3A : memref<!tpu.dma_semaphore, #tpu.memory_space<semaphore_mem>>) src(%dma_wait3A_36 : memref<128xi32, #tpu.memory_space<hbm>>) dst(%arg5 : memref<128xi32, #tpu.memory_space<vmem>>)
          tpu.yield
        }) : () -> ()
        %dma_start3A_30 = arith.constant 0 : i32
        %dma_start3A_31 = arith.constant 0 : i32
        %dma_start3A_32 = tpu.memref_slice %arg2[%dma_start3A_30, %dma_start3A_31] : memref<175168x128xf32, #tpu.memory_space<hbm>> -> memref<175168x128xf32, #tpu.memory_space<hbm>>
        tpu.enqueue_indirect_dma source(%dma_start3A_32 : memref<175168x128xf32, #tpu.memory_space<hbm>>) target(%arg7 : memref<128x128xf32, #tpu.memory_space<vmem>>) offsets(%arg5 : memref<128xi32, #tpu.memory_space<vmem>>) semaphore(%arg9 : memref<!tpu.dma_semaphore, #tpu.memory_space<semaphore_mem>>)
      } else {
      }
      %dma_wait3A_25 = arith.constant 0 : i32
      %dma_wait3A_26 = arith.constant 0 : i32
      %dma_wait3A_27 = tpu.memref_slice %arg2[%dma_wait3A_25, %dma_wait3A_26] : memref<175168x128xf32, #tpu.memory_space<hbm>> -> memref<175168x128xf32, #tpu.memory_space<hbm>>
      tpu.wait_indirect_dma semaphore(%arg10 : memref<!tpu.dma_semaphore, #tpu.memory_space<semaphore_mem>>) src(%dma_wait3A_27 : memref<175168x128xf32, #tpu.memory_space<hbm>>) dst(%arg8 : memref<128x128xf32, #tpu.memory_space<vmem>>)
      "tpu.region"() ({
        %run_scoped3A = tpu.sem_alloc : memref<!tpu.dma_semaphore, #tpu.memory_space<semaphore_mem>>
        %dma_start3A_28 = arith.constant 0 : i32
        %dma_start3A_29 = tpu.memref_slice %arg4[%add3A_17, %dma_start3A_28] : memref<2097152x128xf32, #tpu.memory_space<hbm>> -> memref<128x128xf32, #tpu.memory_space<hbm>>
        %dma_start3A_30 = arith.constant 0 : i32
        %dma_start3A_31 = tpu.memref_slice %arg4[%add3A_17, %dma_start3A_30] : memref<2097152x128xf32, #tpu.memory_space<hbm>> -> memref<128x128xf32, #tpu.memory_space<hbm>>
        tpu.enqueue_dma source(%arg8 : memref<128x128xf32, #tpu.memory_space<vmem>>) target(%dma_start3A_31 : memref<128x128xf32, #tpu.memory_space<hbm>>) target_semaphore(%run_scoped3A : memref<!tpu.dma_semaphore, #tpu.memory_space<semaphore_mem>>)
        %dma_wait3A_32 = arith.constant 0 : i32
        %dma_wait3A_33 = tpu.memref_slice %arg4[%add3A_17, %dma_wait3A_32] : memref<2097152x128xf32, #tpu.memory_space<hbm>> -> memref<128x128xf32, #tpu.memory_space<hbm>>
        %dma_wait3A_34 = arith.constant 0 : i32
        %dma_wait3A_35 = tpu.memref_slice %arg4[%add3A_17, %dma_wait3A_34] : memref<2097152x128xf32, #tpu.memory_space<hbm>> -> memref<128x128xf32, #tpu.memory_space<hbm>>
        tpu.wait_dma2 semaphore(%run_scoped3A : memref<!tpu.dma_semaphore, #tpu.memory_space<semaphore_mem>>) src(%arg8 : memref<128x128xf32, #tpu.memory_space<vmem>>) dst(%dma_wait3A_35 : memref<128x128xf32, #tpu.memory_space<hbm>>)
        tpu.yield
      }) : () -> ()
    }
    %scan3A_9 = arith.constant 256 : i32
    return
  }
}

module attributes {stable_mosaic.version = 14 : i64} {
  func.func @_vmat_body(%arg0: i32, %arg1: memref<640x128xf32, #tpu.memory_space<vmem>>, %arg2: memref<128x128xf32, #tpu.memory_space<vmem>>, %arg3: memref<1x128xf32, #tpu.memory_space<vmem>>, %arg4: memref<640x128xf32, #tpu.memory_space<vmem>>) attributes {dimension_semantics = [#tpu.dimension_semantics<arbitrary>], iteration_bounds = array<i64: 34>, scalar_prefetch = 0 : i64, scratch_operands = 0 : i64, tpu.core_type = #tpu.core_type<tc>, window_params = [{transform_indices = @transform_0, window_bounds = array<i64: 640, 128>}, {pipeline_mode = #tpu.pipeline_mode<synchronous>, transform_indices = @transform_1, window_bounds = array<i64: 128, 128>}, {pipeline_mode = #tpu.pipeline_mode<synchronous>, transform_indices = @transform_2, window_bounds = array<i64: 1, 128>}, {transform_indices = @transform_3, window_bounds = array<i64: 640, 128>}]} {
    %get3A = arith.constant 0 : index
    %get3A_0 = arith.constant 0 : index
    %get3A_1 = vector.load %arg1[%get3A, %get3A_0] : memref<640x128xf32, #tpu.memory_space<vmem>>, vector<640x128xf32>
    %get3A_2 = arith.constant 0 : index
    %get3A_3 = arith.constant 0 : index
    %get3A_4 = vector.load %arg2[%get3A_2, %get3A_3] : memref<128x128xf32, #tpu.memory_space<vmem>>, vector<128x128xf32>
    %dot_general3A = arith.constant dense<0.000000e+00> : vector<640x128xf32>
    %dot_general3A_5 = tpu.matmul %get3A_1, %get3A_4, %dot_general3A {dimension_numbers = #tpu.dot_dimension_numbers<[1], [0], [0], [1], [0, 0, 1, 1], [], []>, precision = #tpu.contract_precision<fp32>, transpose_lhs_hint = false} : vector<640x128xf32>, vector<128x128xf32>, vector<640x128xf32> -> vector<640x128xf32>
    %get3A_6 = arith.constant 0 : index
    %get3A_7 = arith.constant 0 : index
    %get3A_8 = vector.load %arg3[%get3A_6, %get3A_7] : memref<1x128xf32, #tpu.memory_space<vmem>>, vector<1x128xf32>
    %add3A = vector.broadcast %get3A_8 : vector<1x128xf32> to vector<640x128xf32>
    %add3A_9 = arith.addf %dot_general3A_5, %add3A : vector<640x128xf32>
    %swap3A = arith.constant 0 : index
    %swap3A_10 = arith.constant 0 : index
    %swap3A_11 = vector.load %arg4[%swap3A, %swap3A_10] : memref<640x128xf32, #tpu.memory_space<vmem>>, vector<640x128xf32>
    tpu.vector_store %arg4[%swap3A, %swap3A_10], %add3A_9 {strides = array<i32>} : memref<640x128xf32, #tpu.memory_space<vmem>>, vector<640x128xf32>,
    return
  }
  func.func @transform_0(%arg0: i32) -> (i32, i32) {
    %c0_i32 = arith.constant 0 : i32
    %c0_i32_0 = arith.constant 0 : i32
    return %arg0, %c0_i32 : i32, i32
  }
  func.func @transform_1(%arg0: i32) -> (i32, i32) {
    %c0_i32 = arith.constant 0 : i32
    %c0_i32_0 = arith.constant 0 : i32
    %c0_i32_1 = arith.constant 0 : i32
    return %c0_i32, %c0_i32_0 : i32, i32
  }
  func.func @transform_2(%arg0: i32) -> (i32, i32) {
    %c0_i32 = arith.constant 0 : i32
    %c0_i32_0 = arith.constant 0 : i32
    %c0_i32_1 = arith.constant 0 : i32
    return %c0_i32, %c0_i32_0 : i32, i32
  }
  func.func @transform_3(%arg0: i32) -> (i32, i32) {
    %c0_i32 = arith.constant 0 : i32
    %c0_i32_0 = arith.constant 0 : i32
    return %arg0, %c0_i32 : i32, i32
  }
}

module attributes {stable_mosaic.version = 14 : i64} {
  func.func @_topk_body(%arg0: i32, %arg1: memref<8x16384xf32, #tpu.memory_space<vmem>>, %arg2: memref<1x8x32xi32, #tpu.memory_space<vmem>>, %arg3: memref<8x16384xf32, #tpu.memory_space<vmem>>) attributes {dimension_semantics = [#tpu.dimension_semantics<arbitrary>], iteration_bounds = array<i64: 64>, scalar_prefetch = 0 : i64, scratch_operands = 1 : i64, tpu.core_type = #tpu.core_type<tc>, window_params = [{transform_indices = @transform_0, window_bounds = array<i64: 8, 16384>}, {transform_indices = @transform_1, window_bounds = array<i64: 1, 8, 32>}]} {
    %get3A = arith.constant 0 : index
    %get3A_0 = arith.constant 0 : index
    %get3A_1 = vector.load %arg1[%get3A, %get3A_0] : memref<8x16384xf32, #tpu.memory_space<vmem>>, vector<8x16384xf32>
    %swap3A = arith.constant 0 : index
    %swap3A_2 = arith.constant 0 : index
    %swap3A_3 = vector.load %arg3[%swap3A, %swap3A_2] : memref<8x16384xf32, #tpu.memory_space<vmem>>, vector<8x16384xf32>
    tpu.vector_store %arg3[%swap3A, %swap3A_2], %get3A_1 {strides = array<i32>} : memref<8x16384xf32, #tpu.memory_space<vmem>>, vector<8x16384xf32>,
    %iota3A = tpu.iota {dimensions = array<i32: 1>} : vector<8x16384xi32>
    %iota3A_4 = tpu.iota {dimensions = array<i32: 1>} : vector<8x32xi32>
    %broadcast_in_dim3A = arith.constant 0 : i32
    %broadcast_in_dim3A_5 = vector.broadcast %broadcast_in_dim3A : i32 to vector<8x32xi32>
    %scan3A = arith.constant 0 : i32
    %scan3A_6 = arith.constant 32 : i32
    %scan3A_7 = arith.addi %scan3A, %scan3A_6 : i32
    %scan3A_8 = arith.constant 1 : i32
    %scan3A_9 = scf.for %scan3A_17 = %scan3A to %scan3A_7 step %scan3A_8 iter_args(%scan3A_18 = %broadcast_in_dim3A_5) -> (vector<8x32xi32>)  : i32 {
      %get3A_19 = arith.constant 0 : index
      %get3A_20 = arith.constant 0 : index
      %get3A_21 = vector.load %arg3[%get3A_19, %get3A_20] : memref<8x16384xf32, #tpu.memory_space<vmem>>, vector<8x16384xf32>
      %reduce_max3A = arith.constant dense<0xFF800000> : vector<8xf32>
      %reduce_max3A_22 = vector.multi_reduction <maximumf>, %get3A_21, %reduce_max3A [1] : vector<8x16384xf32> to vector<8xf32>
      %broadcast_in_dim3A_23 = vector.shape_cast %reduce_max3A_22 : vector<8xf32> to vector<8x1xf32>
      %eq3A = vector.broadcast %broadcast_in_dim3A_23 : vector<8x1xf32> to vector<8x16384xf32>
      %eq3A_24 = arith.cmpf oeq, %get3A_21, %eq3A : vector<8x16384xf32>
      %jit3A = arith.constant 16384 : i32
      %broadcast_in_dim3A_25 = vector.broadcast %jit3A : i32 to vector<8x16384xi32>
      %select_n3A = arith.select %eq3A_24, %iota3A, %broadcast_in_dim3A_25 : vector<8x16384xi1>, vector<8x16384xi32>
      %reduce_min3A = arith.constant dense<2147483647> : vector<8xi32>
      %reduce_min3A_26 = vector.multi_reduction <minsi>, %select_n3A, %reduce_min3A [1] : vector<8x16384xi32> to vector<8xi32>
      %broadcast_in_dim3A_27 = vector.shape_cast %reduce_min3A_26 : vector<8xi32> to vector<8x1xi32>
      %eq3A_28 = vector.broadcast %broadcast_in_dim3A_27 : vector<8x1xi32> to vector<8x16384xi32>
      %eq3A_29 = arith.cmpi eq, %iota3A, %eq3A_28 : vector<8x16384xi32>
      %jit3A_30 = arith.constant 0xFF800000 : f32
      %broadcast_in_dim3A_31 = vector.broadcast %jit3A_30 : f32 to vector<8x16384xf32>
      %select_n3A_32 = arith.select %eq3A_29, %broadcast_in_dim3A_31, %get3A_21 : vector<8x16384xi1>, vector<8x16384xf32>
      %swap3A_33 = arith.constant 0 : index
      %swap3A_34 = arith.constant 0 : index
      %swap3A_35 = vector.load %arg3[%swap3A_33, %swap3A_34] : memref<8x16384xf32, #tpu.memory_space<vmem>>, vector<8x16384xf32>
      tpu.vector_store %arg3[%swap3A_33, %swap3A_34], %select_n3A_32 {strides = array<i32>} : memref<8x16384xf32, #tpu.memory_space<vmem>>, vector<8x16384xf32>,
      %eq3A_36 = vector.broadcast %scan3A_17 : i32 to vector<8x32xi32>
      %eq3A_37 = arith.cmpi eq, %iota3A_4, %eq3A_36 : vector<8x32xi32>
      %broadcast_in_dim3A_38 = vector.shape_cast %reduce_min3A_26 : vector<8xi32> to vector<8x1xi32>
      %broadcast_in_dim3A_39 = vector.shape_cast %broadcast_in_dim3A_38 : vector<8x1xi32> to vector<8x1xi32>
      %broadcast_in_dim3A_40 = vector.broadcast %broadcast_in_dim3A_39 : vector<8x1xi32> to vector<8x32xi32>
      %select_n3A_41 = arith.select %eq3A_37, %broadcast_in_dim3A_40, %scan3A_18 : vector<8x32xi1>, vector<8x32xi32>
      scf.yield %select_n3A_41 : vector<8x32xi32>
    }
    %scan3A_10 = arith.constant 32 : i32
    %swap3A_11 = arith.constant 0 : index
    %swap3A_12 = arith.constant 0 : index
    %swap3A_13 = arith.constant 0 : index
    %swap3A_14 = vector.load %arg2[%swap3A_11, %swap3A_12, %swap3A_13] : memref<1x8x32xi32, #tpu.memory_space<vmem>>, vector<1x8x32xi32>
    %swap3A_15 = vector.shape_cast %swap3A_14 : vector<1x8x32xi32> to vector<8x32xi32>
    %swap3A_16 = vector.shape_cast %scan3A_9 : vector<8x32xi32> to vector<1x8x32xi32>
    tpu.vector_store %arg2[%swap3A_11, %swap3A_12, %swap3A_13], %swap3A_16 {strides = array<i32>} : memref<1x8x32xi32, #tpu.memory_space<vmem>>, vector<1x8x32xi32>,
    return
  }
  func.func @transform_0(%arg0: i32) -> (i32, i32) {
    %c0_i32 = arith.constant 0 : i32
    %c0_i32_0 = arith.constant 0 : i32
    return %arg0, %c0_i32 : i32, i32
  }
  func.func @transform_1(%arg0: i32) -> (i32, i32, i32) {
    %c0_i32 = arith.constant 0 : i32
    %c0_i32_0 = arith.constant 0 : i32
    %c0_i32_1 = arith.constant 0 : i32
    return %arg0, %c0_i32, %c0_i32_0 : i32, i32, i32
  }
}

module attributes {stable_mosaic.version = 14 : i64} {
  func.func @_asm_body(%arg0: i32, %arg1: i32, %arg2: memref<952x128xf32, #tpu.memory_space<vmem>>, %arg3: memref<952x128xf32, #tpu.memory_space<vmem>>, %arg4: memref<952x128xf32, #tpu.memory_space<vmem>>, %arg5: memref<952x128xf32, #tpu.memory_space<vmem>>, %arg6: memref<1x4x128x128xf32, #tpu.memory_space<vmem>>, %arg7: memref<1x952x128xf32, #tpu.memory_space<vmem>>) attributes {dimension_semantics = [#tpu.dimension_semantics<arbitrary>, #tpu.dimension_semantics<arbitrary>], iteration_bounds = array<i64: 8, 23>, scalar_prefetch = 0 : i64, scratch_operands = 0 : i64, tpu.core_type = #tpu.core_type<tc>, window_params = [{transform_indices = @transform_0, window_bounds = array<i64: 952, 128>}, {transform_indices = @transform_1, window_bounds = array<i64: 952, 128>}, {transform_indices = @transform_2, window_bounds = array<i64: 952, 128>}, {transform_indices = @transform_3, window_bounds = array<i64: 952, 128>}, {transform_indices = @transform_4, window_bounds = array<i64: 1, 4, 128, 128>}, {transform_indices = @transform_5, window_bounds = array<i64: 1, 952, 128>}]} {
    %get3A = arith.constant 0 : index
    %get3A_0 = arith.constant 0 : index
    %get3A_1 = arith.constant 0 : index
    %get3A_2 = arith.constant 0 : index
    %get3A_3 = vector.load %arg6[%get3A, %get3A_0, %get3A_1, %get3A_2] : memref<1x4x128x128xf32, #tpu.memory_space<vmem>>, vector<1x4x128x128xf32>
    %get3A_4 = vector.shape_cast %get3A_3 : vector<1x4x128x128xf32> to vector<4x128x128xf32>
    %get3A_5 = arith.constant 0 : index
    %get3A_6 = arith.constant 0 : index
    %get3A_7 = vector.load %arg2[%get3A_5, %get3A_6] : memref<952x128xf32, #tpu.memory_space<vmem>>, vector<952x128xf32>
    %slice3A = vector.extract_strided_slice %get3A_4 {offsets = [0, 0, 0], sizes = [1, 128, 128], strides = [1, 1, 1]} : vector<4x128x128xf32> to vector<1x128x128xf32>
    %squeeze3A = vector.shape_cast %slice3A : vector<1x128x128xf32> to vector<128x128xf32>
    %dot_general3A = arith.constant dense<0.000000e+00> : vector<952x128xf32>
    %dot_general3A_8 = tpu.matmul %get3A_7, %squeeze3A, %dot_general3A {dimension_numbers = #tpu.dot_dimension_numbers<[1], [0], [0], [1], [0, 0, 1, 1], [], []>, precision = #tpu.contract_precision<fp32>, transpose_lhs_hint = false} : vector<952x128xf32>, vector<128x128xf32>, vector<952x128xf32> -> vector<952x128xf32>
    %get3A_9 = arith.constant 0 : index
    %get3A_10 = arith.constant 0 : index
    %get3A_11 = vector.load %arg3[%get3A_9, %get3A_10] : memref<952x128xf32, #tpu.memory_space<vmem>>, vector<952x128xf32>
    %slice3A_12 = vector.extract_strided_slice %get3A_4 {offsets = [1, 0, 0], sizes = [1, 128, 128], strides = [1, 1, 1]} : vector<4x128x128xf32> to vector<1x128x128xf32>
    %squeeze3A_13 = vector.shape_cast %slice3A_12 : vector<1x128x128xf32> to vector<128x128xf32>
    %dot_general3A_14 = arith.constant dense<0.000000e+00> : vector<952x128xf32>
    %dot_general3A_15 = tpu.matmul %get3A_11, %squeeze3A_13, %dot_general3A_14 {dimension_numbers = #tpu.dot_dimension_numbers<[1], [0], [0], [1], [0, 0, 1, 1], [], []>, precision = #tpu.contract_precision<fp32>, transpose_lhs_hint = false} : vector<952x128xf32>, vector<128x128xf32>, vector<952x128xf32> -> vector<952x128xf32>
    %add3A = arith.addf %dot_general3A_8, %dot_general3A_15 : vector<952x128xf32>
    %get3A_16 = arith.constant 0 : index
    %get3A_17 = arith.constant 0 : index
    %get3A_18 = vector.load %arg4[%get3A_16, %get3A_17] : memref<952x128xf32, #tpu.memory_space<vmem>>, vector<952x128xf32>
    %slice3A_19 = vector.extract_strided_slice %get3A_4 {offsets = [2, 0, 0], sizes = [1, 128, 128], strides = [1, 1, 1]} : vector<4x128x128xf32> to vector<1x128x128xf32>
    %squeeze3A_20 = vector.shape_cast %slice3A_19 : vector<1x128x128xf32> to vector<128x128xf32>
    %dot_general3A_21 = arith.constant dense<0.000000e+00> : vector<952x128xf32>
    %dot_general3A_22 = tpu.matmul %get3A_18, %squeeze3A_20, %dot_general3A_21 {dimension_numbers = #tpu.dot_dimension_numbers<[1], [0], [0], [1], [0, 0, 1, 1], [], []>, precision = #tpu.contract_precision<fp32>, transpose_lhs_hint = false} : vector<952x128xf32>, vector<128x128xf32>, vector<952x128xf32> -> vector<952x128xf32>
    %add3A_23 = arith.addf %add3A, %dot_general3A_22 : vector<952x128xf32>
    %get3A_24 = arith.constant 0 : index
    %get3A_25 = arith.constant 0 : index
    %get3A_26 = vector.load %arg5[%get3A_24, %get3A_25] : memref<952x128xf32, #tpu.memory_space<vmem>>, vector<952x128xf32>
    %slice3A_27 = vector.extract_strided_slice %get3A_4 {offsets = [3, 0, 0], sizes = [1, 128, 128], strides = [1, 1, 1]} : vector<4x128x128xf32> to vector<1x128x128xf32>
    %squeeze3A_28 = vector.shape_cast %slice3A_27 : vector<1x128x128xf32> to vector<128x128xf32>
    %dot_general3A_29 = arith.constant dense<0.000000e+00> : vector<952x128xf32>
    %dot_general3A_30 = tpu.matmul %get3A_26, %squeeze3A_28, %dot_general3A_29 {dimension_numbers = #tpu.dot_dimension_numbers<[1], [0], [0], [1], [0, 0, 1, 1], [], []>, precision = #tpu.contract_precision<fp32>, transpose_lhs_hint = false} : vector<952x128xf32>, vector<128x128xf32>, vector<952x128xf32> -> vector<952x128xf32>
    %add3A_31 = arith.addf %add3A_23, %dot_general3A_30 : vector<952x128xf32>
    %swap3A = arith.constant 0 : index
    %swap3A_32 = arith.constant 0 : index
    %swap3A_33 = arith.constant 0 : index
    %swap3A_34 = vector.load %arg7[%swap3A, %swap3A_32, %swap3A_33] : memref<1x952x128xf32, #tpu.memory_space<vmem>>, vector<1x952x128xf32>
    %swap3A_35 = vector.shape_cast %swap3A_34 : vector<1x952x128xf32> to vector<952x128xf32>
    %swap3A_36 = vector.shape_cast %add3A_31 : vector<952x128xf32> to vector<1x952x128xf32>
    tpu.vector_store %arg7[%swap3A, %swap3A_32, %swap3A_33], %swap3A_36 {strides = array<i32>} : memref<1x952x128xf32, #tpu.memory_space<vmem>>, vector<1x952x128xf32>,
    return
  }
  func.func @transform_0(%arg0: i32, %arg1: i32) -> (i32, i32) {
    %c0_i32 = arith.constant 0 : i32
    %c0_i32_0 = arith.constant 0 : i32
    return %arg1, %c0_i32 : i32, i32
  }
  func.func @transform_1(%arg0: i32, %arg1: i32) -> (i32, i32) {
    %c0_i32 = arith.constant 0 : i32
    %c0_i32_0 = arith.constant 0 : i32
    return %arg1, %c0_i32 : i32, i32
  }
  func.func @transform_2(%arg0: i32, %arg1: i32) -> (i32, i32) {
    %c0_i32 = arith.constant 0 : i32
    %c0_i32_0 = arith.constant 0 : i32
    return %arg1, %c0_i32 : i32, i32
  }
  func.func @transform_3(%arg0: i32, %arg1: i32) -> (i32, i32) {
    %c0_i32 = arith.constant 0 : i32
    %c0_i32_0 = arith.constant 0 : i32
    return %arg1, %c0_i32 : i32, i32
  }
  func.func @transform_4(%arg0: i32, %arg1: i32) -> (i32, i32, i32, i32) {
    %c0_i32 = arith.constant 0 : i32
    %c0_i32_0 = arith.constant 0 : i32
    %c0_i32_1 = arith.constant 0 : i32
    %c0_i32_2 = arith.constant 0 : i32
    return %arg0, %c0_i32, %c0_i32_0, %c0_i32_1 : i32, i32, i32, i32
  }
  func.func @transform_5(%arg0: i32, %arg1: i32) -> (i32, i32, i32) {
    %c0_i32 = arith.constant 0 : i32
    %c0_i32_0 = arith.constant 0 : i32
    return %arg0, %arg1, %c0_i32 : i32, i32, i32
  }
}

module attributes {stable_mosaic.version = 14 : i64} {
  func.func @_coords_body(%arg0: i32, %arg1: memref<512x128xf32, #tpu.memory_space<vmem>>, %arg2: memref<512x128xf32, #tpu.memory_space<vmem>>, %arg3: memref<512x128xf32, #tpu.memory_space<vmem>>, %arg4: memref<128x128xf32, #tpu.memory_space<vmem>>, %arg5: memref<1x128xf32, #tpu.memory_space<vmem>>, %arg6: memref<1x128xf32, #tpu.memory_space<vmem>>, %arg7: memref<1x128xf32, #tpu.memory_space<vmem>>, %arg8: memref<1x128xi32, #tpu.memory_space<vmem>>, %arg9: memref<1x128xi32, #tpu.memory_space<vmem>>, %arg10: memref<1x128xi32, #tpu.memory_space<vmem>>, %arg11: memref<512x128xi32, #tpu.memory_space<vmem>>, %arg12: memref<512x128xf32, #tpu.memory_space<vmem>>, %arg13: memref<512x128xf32, #tpu.memory_space<vmem>>, %arg14: memref<512x128xf32, #tpu.memory_space<vmem>>, %arg15: memref<512x128xf32, #tpu.memory_space<vmem>>) attributes {dimension_semantics = [#tpu.dimension_semantics<arbitrary>], iteration_bounds = array<i64: 32>, scalar_prefetch = 0 : i64, scratch_operands = 0 : i64, tpu.core_type = #tpu.core_type<tc>, window_params = [{transform_indices = @transform_0, window_bounds = array<i64: 512, 128>}, {transform_indices = @transform_1, window_bounds = array<i64: 512, 128>}, {transform_indices = @transform_2, window_bounds = array<i64: 512, 128>}, {pipeline_mode = #tpu.pipeline_mode<synchronous>, transform_indices = @transform_3, window_bounds = array<i64: 128, 128>}, {pipeline_mode = #tpu.pipeline_mode<synchronous>, transform_indices = @transform_4, window_bounds = array<i64: 1, 128>}, {pipeline_mode = #tpu.pipeline_mode<synchronous>, transform_indices = @transform_5, window_bounds = array<i64: 1, 128>}, {pipeline_mode = #tpu.pipeline_mode<synchronous>, transform_indices = @transform_6, window_bounds = array<i64: 1, 128>}, {pipeline_mode = #tpu.pipeline_mode<synchronous>, transform_indices = @transform_7, window_bounds = array<i64: 1, 128>}, {pipeline_mode = #tpu.pipeline_mode<synchronous>, transform_indices = @transform_8, window_bounds = array<i64: 1, 128>}, {pipeline_mode = #tpu.pipeline_mode<synchronous>, transform_indices = @transform_9, window_bounds = array<i64: 1, 128>}, {transform_indices = @transform_10, window_bounds = array<i64: 512, 128>}, {transform_indices = @transform_11, window_bounds = array<i64: 512, 128>}, {transform_indices = @transform_12, window_bounds = array<i64: 512, 128>}, {transform_indices = @transform_13, window_bounds = array<i64: 512, 128>}, {transform_indices = @transform_14, window_bounds = array<i64: 512, 128>}]} {
    %get3A = arith.constant 0 : index
    %get3A_0 = arith.constant 0 : index
    %get3A_1 = vector.load %arg1[%get3A, %get3A_0] : memref<512x128xf32, #tpu.memory_space<vmem>>, vector<512x128xf32>
    %get3A_2 = arith.constant 0 : index
    %get3A_3 = arith.constant 0 : index
    %get3A_4 = vector.load %arg2[%get3A_2, %get3A_3] : memref<512x128xf32, #tpu.memory_space<vmem>>, vector<512x128xf32>
    %get3A_5 = arith.constant 0 : index
    %get3A_6 = arith.constant 0 : index
    %get3A_7 = vector.load %arg3[%get3A_5, %get3A_6] : memref<512x128xf32, #tpu.memory_space<vmem>>, vector<512x128xf32>
    %get3A_8 = arith.constant 0 : index
    %get3A_9 = arith.constant 0 : index
    %get3A_10 = vector.load %arg4[%get3A_8, %get3A_9] : memref<128x128xf32, #tpu.memory_space<vmem>>, vector<128x128xf32>
    %dot_general3A = arith.constant dense<0.000000e+00> : vector<512x128xf32>
    %dot_general3A_11 = tpu.matmul %get3A_1, %get3A_10, %dot_general3A {dimension_numbers = #tpu.dot_dimension_numbers<[1], [0], [0], [1], [0, 0, 1, 1], [], []>, precision = #tpu.contract_precision<fp32>, transpose_lhs_hint = false} : vector<512x128xf32>, vector<128x128xf32>, vector<512x128xf32> -> vector<512x128xf32>
    %get3A_12 = arith.constant 0 : index
    %get3A_13 = arith.constant 0 : index
    %get3A_14 = vector.load %arg5[%get3A_12, %get3A_13] : memref<1x128xf32, #tpu.memory_space<vmem>>, vector<1x128xf32>
    %add3A = vector.broadcast %get3A_14 : vector<1x128xf32> to vector<512x128xf32>
    %add3A_15 = arith.addf %dot_general3A_11, %add3A : vector<512x128xf32>
    %reshape3A = vector.shape_cast %add3A_15 : vector<512x128xf32> to vector<512x8x16xf32>
    %reduce_max3A = arith.constant dense<0xFF800000> : vector<512x8xf32>
    %reduce_max3A_16 = vector.multi_reduction <maximumf>, %reshape3A, %reduce_max3A [2] : vector<512x8x16xf32> to vector<512x8xf32>
    %broadcast_in_dim3A = vector.shape_cast %reduce_max3A_16 : vector<512x8xf32> to vector<512x8x1xf32>
    %sub3A = vector.broadcast %broadcast_in_dim3A : vector<512x8x1xf32> to vector<512x8x16xf32>
    %sub3A_17 = arith.subf %reshape3A, %sub3A : vector<512x8x16xf32>
    %exp3A = math.exp %sub3A_17 : vector<512x8x16xf32>
    %reduce_sum3A = arith.constant dense<0.000000e+00> : vector<512x8xf32>
    %reduce_sum3A_18 = vector.multi_reduction <add>, %exp3A, %reduce_sum3A [2] : vector<512x8x16xf32> to vector<512x8xf32>
    %broadcast_in_dim3A_19 = vector.shape_cast %reduce_sum3A_18 : vector<512x8xf32> to vector<512x8x1xf32>
    %div3A = vector.broadcast %broadcast_in_dim3A_19 : vector<512x8x1xf32> to vector<512x8x16xf32>
    %div3A_20 = arith.divf %exp3A, %div3A : vector<512x8x16xf32>
    %reshape3A_21 = vector.shape_cast %div3A_20 : vector<512x8x16xf32> to vector<512x128xf32>
    %floor3A = math.floor %get3A_4 : vector<512x128xf32>
    %floor3A_22 = math.floor %get3A_7 : vector<512x128xf32>
    %sub3A_23 = arith.subf %get3A_4, %floor3A : vector<512x128xf32>
    %sub3A_24 = arith.subf %get3A_7, %floor3A_22 : vector<512x128xf32>
    %get3A_25 = arith.constant 0 : index
    %get3A_26 = arith.constant 0 : index
    %get3A_27 = vector.load %arg8[%get3A_25, %get3A_26] : memref<1x128xi32, #tpu.memory_space<vmem>>, vector<1x128xi32>
    %get3A_28 = arith.constant 0 : index
    %get3A_29 = arith.constant 0 : index
    %get3A_30 = vector.load %arg9[%get3A_28, %get3A_29] : memref<1x128xi32, #tpu.memory_space<vmem>>, vector<1x128xi32>
    %convert_element_type3A = arith.fptosi %floor3A : vector<512x128xf32> to vector<512x128xi32>
    %sub3A_31 = arith.constant 1 : i32
    %sub3A_32 = vector.broadcast %sub3A_31 : i32 to vector<1x128xi32>
    %sub3A_33 = arith.subi %get3A_27, %sub3A_32 : vector<1x128xi32>
    %jit3A = arith.constant 0 : i32
    %max3A = vector.broadcast %jit3A : i32 to vector<512x128xi32>
    %max3A_34 = arith.maxsi %max3A, %convert_element_type3A : vector<512x128xi32>
    %min3A = vector.broadcast %sub3A_33 : vector<1x128xi32> to vector<512x128xi32>
    %min3A_35 = arith.minsi %min3A, %max3A_34 : vector<512x128xi32>
    %convert_element_type3A_36 = arith.fptosi %floor3A_22 : vector<512x128xf32> to vector<512x128xi32>
    %sub3A_37 = arith.constant 1 : i32
    %sub3A_38 = vector.broadcast %sub3A_37 : i32 to vector<1x128xi32>
    %sub3A_39 = arith.subi %get3A_30, %sub3A_38 : vector<1x128xi32>
    %jit3A_40 = arith.constant 0 : i32
    %max3A_41 = vector.broadcast %jit3A_40 : i32 to vector<512x128xi32>
    %max3A_42 = arith.maxsi %max3A_41, %convert_element_type3A_36 : vector<512x128xi32>
    %min3A_43 = vector.broadcast %sub3A_39 : vector<1x128xi32> to vector<512x128xi32>
    %min3A_44 = arith.minsi %min3A_43, %max3A_42 : vector<512x128xi32>
    %sub3A_45 = arith.constant 1 : i32
    %sub3A_46 = vector.broadcast %sub3A_45 : i32 to vector<1x128xi32>
    %sub3A_47 = arith.subi %get3A_27, %sub3A_46 : vector<1x128xi32>
    %eq3A = vector.broadcast %sub3A_47 : vector<1x128xi32> to vector<512x128xi32>
    %eq3A_48 = arith.cmpi eq, %min3A_35, %eq3A : vector<512x128xi32>
    %sub3A_49 = arith.constant 1 : i32
    %sub3A_50 = vector.broadcast %sub3A_49 : i32 to vector<1x128xi32>
    %sub3A_51 = arith.subi %get3A_30, %sub3A_50 : vector<1x128xi32>
    %eq3A_52 = vector.broadcast %sub3A_51 : vector<1x128xi32> to vector<512x128xi32>
    %eq3A_53 = arith.cmpi eq, %min3A_44, %eq3A_52 : vector<512x128xi32>
    %sub3A_54 = arith.constant 1.000000e+00 : f32
    %sub3A_55 = vector.broadcast %sub3A_54 : f32 to vector<512x128xf32>
    %sub3A_56 = arith.subf %sub3A_55, %sub3A_23 : vector<512x128xf32>
    %sub3A_57 = arith.constant 1.000000e+00 : f32
    %sub3A_58 = vector.broadcast %sub3A_57 : f32 to vector<512x128xf32>
    %sub3A_59 = arith.subf %sub3A_58, %sub3A_24 : vector<512x128xf32>
    %mul3A = arith.mulf %sub3A_56, %sub3A_59 : vector<512x128xf32>
    %sub3A_60 = arith.constant 1.000000e+00 : f32
    %sub3A_61 = vector.broadcast %sub3A_60 : f32 to vector<512x128xf32>
    %sub3A_62 = arith.subf %sub3A_61, %sub3A_24 : vector<512x128xf32>
    %mul3A_63 = arith.mulf %sub3A_23, %sub3A_62 : vector<512x128xf32>
    %sub3A_64 = arith.constant 1.000000e+00 : f32
    %sub3A_65 = vector.broadcast %sub3A_64 : f32 to vector<512x128xf32>
    %sub3A_66 = arith.subf %sub3A_65, %sub3A_23 : vector<512x128xf32>
    %mul3A_67 = arith.mulf %sub3A_66, %sub3A_24 : vector<512x128xf32>
    %mul3A_68 = arith.mulf %sub3A_23, %sub3A_24 : vector<512x128xf32>
    %broadcast_in_dim3A_69 = arith.constant 0.000000e+00 : f32
    %broadcast_in_dim3A_70 = vector.broadcast %broadcast_in_dim3A_69 : f32 to vector<512x128xf32>
    %select_n3A = arith.select %eq3A_48, %mul3A_63, %broadcast_in_dim3A_70 : vector<512x128xi1>, vector<512x128xf32>
    %add3A_71 = arith.addf %mul3A, %select_n3A : vector<512x128xf32>
    %select_n3A_72 = arith.select %eq3A_48, %broadcast_in_dim3A_70, %mul3A_63 : vector<512x128xi1>, vector<512x128xf32>
    %select_n3A_73 = arith.select %eq3A_48, %mul3A_68, %broadcast_in_dim3A_70 : vector<512x128xi1>, vector<512x128xf32>
    %add3A_74 = arith.addf %mul3A_67, %select_n3A_73 : vector<512x128xf32>
    %select_n3A_75 = arith.select %eq3A_48, %broadcast_in_dim3A_70, %mul3A_68 : vector<512x128xi1>, vector<512x128xf32>
    %select_n3A_76 = arith.select %eq3A_53, %add3A_74, %broadcast_in_dim3A_70 : vector<512x128xi1>, vector<512x128xf32>
    %add3A_77 = arith.addf %add3A_71, %select_n3A_76 : vector<512x128xf32>
    %select_n3A_78 = arith.select %eq3A_53, %broadcast_in_dim3A_70, %add3A_74 : vector<512x128xi1>, vector<512x128xf32>
    %select_n3A_79 = arith.select %eq3A_53, %select_n3A_75, %broadcast_in_dim3A_70 : vector<512x128xi1>, vector<512x128xf32>
    %add3A_80 = arith.addf %select_n3A_72, %select_n3A_79 : vector<512x128xf32>
    %select_n3A_81 = arith.select %eq3A_53, %broadcast_in_dim3A_70, %select_n3A_75 : vector<512x128xi1>, vector<512x128xf32>
    %mul3A_82 = vector.broadcast %get3A_27 : vector<1x128xi32> to vector<512x128xi32>
    %mul3A_83 = arith.muli %min3A_44, %mul3A_82 : vector<512x128xi32>
    %add3A_84 = arith.addi %mul3A_83, %min3A_35 : vector<512x128xi32>
    %get3A_85 = arith.constant 0 : index
    %get3A_86 = arith.constant 0 : index
    %get3A_87 = vector.load %arg10[%get3A_85, %get3A_86] : memref<1x128xi32, #tpu.memory_space<vmem>>, vector<1x128xi32>
    %add3A_88 = vector.broadcast %get3A_87 : vector<1x128xi32> to vector<512x128xi32>
    %add3A_89 = arith.addi %add3A_84, %add3A_88 : vector<512x128xi32>
    %swap3A = arith.constant 0 : index
    %swap3A_90 = arith.constant 0 : index
    %swap3A_91 = vector.load %arg11[%swap3A, %swap3A_90] : memref<512x128xi32, #tpu.memory_space<vmem>>, vector<512x128xi32>
    tpu.vector_store %arg11[%swap3A, %swap3A_90], %add3A_89 {strides = array<i32>} : memref<512x128xi32, #tpu.memory_space<vmem>>, vector<512x128xi32>,
    %mul3A_92 = arith.mulf %add3A_77, %reshape3A_21 : vector<512x128xf32>
    %swap3A_93 = arith.constant 0 : index
    %swap3A_94 = arith.constant 0 : index
    %swap3A_95 = vector.load %arg12[%swap3A_93, %swap3A_94] : memref<512x128xf32, #tpu.memory_space<vmem>>, vector<512x128xf32>
    tpu.vector_store %arg12[%swap3A_93, %swap3A_94], %mul3A_92 {strides = array<i32>} : memref<512x128xf32, #tpu.memory_space<vmem>>, vector<512x128xf32>,
    %mul3A_96 = arith.mulf %add3A_80, %reshape3A_21 : vector<512x128xf32>
    %swap3A_97 = arith.constant 0 : index
    %swap3A_98 = arith.constant 0 : index
    %swap3A_99 = vector.load %arg13[%swap3A_97, %swap3A_98] : memref<512x128xf32, #tpu.memory_space<vmem>>, vector<512x128xf32>
    tpu.vector_store %arg13[%swap3A_97, %swap3A_98], %mul3A_96 {strides = array<i32>} : memref<512x128xf32, #tpu.memory_space<vmem>>, vector<512x128xf32>,
    %mul3A_100 = arith.mulf %select_n3A_78, %reshape3A_21 : vector<512x128xf32>
    %swap3A_101 = arith.constant 0 : index
    %swap3A_102 = arith.constant 0 : index
    %swap3A_103 = vector.load %arg14[%swap3A_101, %swap3A_102] : memref<512x128xf32, #tpu.memory_space<vmem>>, vector<512x128xf32>
    tpu.vector_store %arg14[%swap3A_101, %swap3A_102], %mul3A_100 {strides = array<i32>} : memref<512x128xf32, #tpu.memory_space<vmem>>, vector<512x128xf32>,
    %mul3A_104 = arith.mulf %select_n3A_81, %reshape3A_21 : vector<512x128xf32>
    %swap3A_105 = arith.constant 0 : index
    %swap3A_106 = arith.constant 0 : index
    %swap3A_107 = vector.load %arg15[%swap3A_105, %swap3A_106] : memref<512x128xf32, #tpu.memory_space<vmem>>, vector<512x128xf32>
    tpu.vector_store %arg15[%swap3A_105, %swap3A_106], %mul3A_104 {strides = array<i32>} : memref<512x128xf32, #tpu.memory_space<vmem>>, vector<512x128xf32>,
    return
  }
  func.func @transform_0(%arg0: i32) -> (i32, i32) {
    %c0_i32 = arith.constant 0 : i32
    %c0_i32_0 = arith.constant 0 : i32
    return %arg0, %c0_i32 : i32, i32
  }
  func.func @transform_1(%arg0: i32) -> (i32, i32) {
    %c0_i32 = arith.constant 0 : i32
    %c0_i32_0 = arith.constant 0 : i32
    return %arg0, %c0_i32 : i32, i32
  }
  func.func @transform_2(%arg0: i32) -> (i32, i32) {
    %c0_i32 = arith.constant 0 : i32
    %c0_i32_0 = arith.constant 0 : i32
    return %arg0, %c0_i32 : i32, i32
  }
  func.func @transform_3(%arg0: i32) -> (i32, i32) {
    %c0_i32 = arith.constant 0 : i32
    %c0_i32_0 = arith.constant 0 : i32
    %c0_i32_1 = arith.constant 0 : i32
    return %c0_i32, %c0_i32_0 : i32, i32
  }
  func.func @transform_4(%arg0: i32) -> (i32, i32) {
    %c0_i32 = arith.constant 0 : i32
    %c0_i32_0 = arith.constant 0 : i32
    %c0_i32_1 = arith.constant 0 : i32
    return %c0_i32, %c0_i32_0 : i32, i32
  }
  func.func @transform_5(%arg0: i32) -> (i32, i32) {
    %c0_i32 = arith.constant 0 : i32
    %c0_i32_0 = arith.constant 0 : i32
    %c0_i32_1 = arith.constant 0 : i32
    return %c0_i32, %c0_i32_0 : i32, i32
  }
  func.func @transform_6(%arg0: i32) -> (i32, i32) {
    %c0_i32 = arith.constant 0 : i32
    %c0_i32_0 = arith.constant 0 : i32
    %c0_i32_1 = arith.constant 0 : i32
    return %c0_i32, %c0_i32_0 : i32, i32
  }
  func.func @transform_7(%arg0: i32) -> (i32, i32) {
    %c0_i32 = arith.constant 0 : i32
    %c0_i32_0 = arith.constant 0 : i32
    %c0_i32_1 = arith.constant 0 : i32
    return %c0_i32, %c0_i32_0 : i32, i32
  }
  func.func @transform_8(%arg0: i32) -> (i32, i32) {
    %c0_i32 = arith.constant 0 : i32
    %c0_i32_0 = arith.constant 0 : i32
    %c0_i32_1 = arith.constant 0 : i32
    return %c0_i32, %c0_i32_0 : i32, i32
  }
  func.func @transform_9(%arg0: i32) -> (i32, i32) {
    %c0_i32 = arith.constant 0 : i32
    %c0_i32_0 = arith.constant 0 : i32
    %c0_i32_1 = arith.constant 0 : i32
    return %c0_i32, %c0_i32_0 : i32, i32
  }
  func.func @transform_10(%arg0: i32) -> (i32, i32) {
    %c0_i32 = arith.constant 0 : i32
    %c0_i32_0 = arith.constant 0 : i32
    return %arg0, %c0_i32 : i32, i32
  }
  func.func @transform_11(%arg0: i32) -> (i32, i32) {
    %c0_i32 = arith.constant 0 : i32
    %c0_i32_0 = arith.constant 0 : i32
    return %arg0, %c0_i32 : i32, i32
  }
  func.func @transform_12(%arg0: i32) -> (i32, i32) {
    %c0_i32 = arith.constant 0 : i32
    %c0_i32_0 = arith.constant 0 : i32
    return %arg0, %c0_i32 : i32, i32
  }
  func.func @transform_13(%arg0: i32) -> (i32, i32) {
    %c0_i32 = arith.constant 0 : i32
    %c0_i32_0 = arith.constant 0 : i32
    return %arg0, %c0_i32 : i32, i32
  }
  func.func @transform_14(%arg0: i32) -> (i32, i32) {
    %c0_i32 = arith.constant 0 : i32
    %c0_i32_0 = arith.constant 0 : i32
    return %arg0, %c0_i32 : i32, i32
  }
}

module attributes {stable_mosaic.version = 14 : i64} {
  func.func @_post_body(%arg0: i32, %arg1: memref<64x128x128xf32, #tpu.memory_space<vmem>>, %arg2: memref<64x128xf32, #tpu.memory_space<vmem>>, %arg3: memref<64x128xf32, #tpu.memory_space<vmem>>, %arg4: memref<64x128xf32, #tpu.memory_space<vmem>>, %arg5: memref<64x128xf32, #tpu.memory_space<vmem>>, %arg6: memref<64x128xf32, #tpu.memory_space<vmem>>, %arg7: memref<128x128xf32, #tpu.memory_space<vmem>>, %arg8: memref<1x128xf32, #tpu.memory_space<vmem>>, %arg9: memref<1x128xf32, #tpu.memory_space<vmem>>, %arg10: memref<1x128xf32, #tpu.memory_space<vmem>>, %arg11: memref<128x256xf32, #tpu.memory_space<vmem>>, %arg12: memref<1x256xf32, #tpu.memory_space<vmem>>, %arg13: memref<256x128xf32, #tpu.memory_space<vmem>>, %arg14: memref<1x128xf32, #tpu.memory_space<vmem>>, %arg15: memref<1x128xf32, #tpu.memory_space<vmem>>, %arg16: memref<1x128xf32, #tpu.memory_space<vmem>>, %arg17: memref<64x128xf32, #tpu.memory_space<vmem>>) attributes {dimension_semantics = [#tpu.dimension_semantics<arbitrary>], iteration_bounds = array<i64: 256>, scalar_prefetch = 0 : i64, scratch_operands = 0 : i64, tpu.core_type = #tpu.core_type<tc>, window_params = [{transform_indices = @transform_0, window_bounds = array<i64: 64, 128, 128>}, {transform_indices = @transform_1, window_bounds = array<i64: 64, 128>}, {transform_indices = @transform_2, window_bounds = array<i64: 64, 128>}, {transform_indices = @transform_3, window_bounds = array<i64: 64, 128>}, {transform_indices = @transform_4, window_bounds = array<i64: 64, 128>}, {transform_indices = @transform_5, window_bounds = array<i64: 64, 128>}, {pipeline_mode = #tpu.pipeline_mode<synchronous>, transform_indices = @transform_6, window_bounds = array<i64: 128, 128>}, {pipeline_mode = #tpu.pipeline_mode<synchronous>, transform_indices = @transform_7, window_bounds = array<i64: 1, 128>}, {pipeline_mode = #tpu.pipeline_mode<synchronous>, transform_indices = @transform_8, window_bounds = array<i64: 1, 128>}, {pipeline_mode = #tpu.pipeline_mode<synchronous>, transform_indices = @transform_9, window_bounds = array<i64: 1, 128>}, {pipeline_mode = #tpu.pipeline_mode<synchronous>, transform_indices = @transform_10, window_bounds = array<i64: 128, 256>}, {pipeline_mode = #tpu.pipeline_mode<synchronous>, transform_indices = @transform_11, window_bounds = array<i64: 1, 256>}, {pipeline_mode = #tpu.pipeline_mode<synchronous>, transform_indices = @transform_12, window_bounds = array<i64: 256, 128>}, {pipeline_mode = #tpu.pipeline_mode<synchronous>, transform_indices = @transform_13, window_bounds = array<i64: 1, 128>}, {pipeline_mode = #tpu.pipeline_mode<synchronous>, transform_indices = @transform_14, window_bounds = array<i64: 1, 128>}, {pipeline_mode = #tpu.pipeline_mode<synchronous>, transform_indices = @transform_15, window_bounds = array<i64: 1, 128>}, {transform_indices = @transform_16, window_bounds = array<i64: 64, 128>}]} {
    %get3A = arith.constant 0 : index
    %get3A_0 = arith.constant 0 : index
    %get3A_1 = arith.constant 0 : index
    %get3A_2 = vector.load %arg1[%get3A, %get3A_0, %get3A_1] : memref<64x128x128xf32, #tpu.memory_space<vmem>>, vector<64x128x128xf32>
    %slice3A = vector.extract_strided_slice %get3A_2 {offsets = [0, 0, 0], sizes = [64, 128, 16], strides = [1, 1, 1]} : vector<64x128x128xf32> to vector<64x128x16xf32>
    %get3A_3 = arith.constant 0 : index
    %get3A_4 = arith.constant 0 : index
    %get3A_5 = vector.load %arg2[%get3A_3, %get3A_4] : memref<64x128xf32, #tpu.memory_space<vmem>>, vector<64x128xf32>
    %broadcast_in_dim3A = vector.shape_cast %get3A_5 : vector<64x128xf32> to vector<64x128x1xf32>
    %mul3A = vector.broadcast %broadcast_in_dim3A : vector<64x128x1xf32> to vector<64x128x16xf32>
    %mul3A_6 = arith.mulf %slice3A, %mul3A : vector<64x128x16xf32>
    %slice3A_7 = vector.extract_strided_slice %get3A_2 {offsets = [0, 0, 16], sizes = [64, 128, 16], strides = [1, 1, 1]} : vector<64x128x128xf32> to vector<64x128x16xf32>
    %get3A_8 = arith.constant 0 : index
    %get3A_9 = arith.constant 0 : index
    %get3A_10 = vector.load %arg3[%get3A_8, %get3A_9] : memref<64x128xf32, #tpu.memory_space<vmem>>, vector<64x128xf32>
    %broadcast_in_dim3A_11 = vector.shape_cast %get3A_10 : vector<64x128xf32> to vector<64x128x1xf32>
    %mul3A_12 = vector.broadcast %broadcast_in_dim3A_11 : vector<64x128x1xf32> to vector<64x128x16xf32>
    %mul3A_13 = arith.mulf %slice3A_7, %mul3A_12 : vector<64x128x16xf32>
    %add3A = arith.addf %mul3A_6, %mul3A_13 : vector<64x128x16xf32>
    %slice3A_14 = vector.extract_strided_slice %get3A_2 {offsets = [0, 0, 32], sizes = [64, 128, 16], strides = [1, 1, 1]} : vector<64x128x128xf32> to vector<64x128x16xf32>
    %get3A_15 = arith.constant 0 : index
    %get3A_16 = arith.constant 0 : index
    %get3A_17 = vector.load %arg4[%get3A_15, %get3A_16] : memref<64x128xf32, #tpu.memory_space<vmem>>, vector<64x128xf32>
    %broadcast_in_dim3A_18 = vector.shape_cast %get3A_17 : vector<64x128xf32> to vector<64x128x1xf32>
    %mul3A_19 = vector.broadcast %broadcast_in_dim3A_18 : vector<64x128x1xf32> to vector<64x128x16xf32>
    %mul3A_20 = arith.mulf %slice3A_14, %mul3A_19 : vector<64x128x16xf32>
    %add3A_21 = arith.addf %add3A, %mul3A_20 : vector<64x128x16xf32>
    %slice3A_22 = vector.extract_strided_slice %get3A_2 {offsets = [0, 0, 48], sizes = [64, 128, 16], strides = [1, 1, 1]} : vector<64x128x128xf32> to vector<64x128x16xf32>
    %get3A_23 = arith.constant 0 : index
    %get3A_24 = arith.constant 0 : index
    %get3A_25 = vector.load %arg5[%get3A_23, %get3A_24] : memref<64x128xf32, #tpu.memory_space<vmem>>, vector<64x128xf32>
    %broadcast_in_dim3A_26 = vector.shape_cast %get3A_25 : vector<64x128xf32> to vector<64x128x1xf32>
    %mul3A_27 = vector.broadcast %broadcast_in_dim3A_26 : vector<64x128x1xf32> to vector<64x128x16xf32>
    %mul3A_28 = arith.mulf %slice3A_22, %mul3A_27 : vector<64x128x16xf32>
    %add3A_29 = arith.addf %add3A_21, %mul3A_28 : vector<64x128x16xf32>
    %reshape3A = vector.shape_cast %add3A_29 : vector<64x128x16xf32> to vector<64x8x16x16xf32>
    %reduce_sum3A = arith.constant dense<0.000000e+00> : vector<64x8x16xf32>
    %reduce_sum3A_30 = vector.multi_reduction <add>, %reshape3A, %reduce_sum3A [2] : vector<64x8x16x16xf32> to vector<64x8x16xf32>
    %reshape3A_31 = vector.shape_cast %reduce_sum3A_30 : vector<64x8x16xf32> to vector<64x128xf32>
    %get3A_32 = arith.constant 0 : index
    %get3A_33 = arith.constant 0 : index
    %get3A_34 = vector.load %arg7[%get3A_32, %get3A_33] : memref<128x128xf32, #tpu.memory_space<vmem>>, vector<128x128xf32>
    %dot_general3A = arith.constant dense<0.000000e+00> : vector<64x128xf32>
    %dot_general3A_35 = tpu.matmul %reshape3A_31, %get3A_34, %dot_general3A {dimension_numbers = #tpu.dot_dimension_numbers<[1], [0], [0], [1], [0, 0, 1, 1], [], []>, precision = #tpu.contract_precision<fp32>, transpose_lhs_hint = false} : vector<64x128xf32>, vector<128x128xf32>, vector<64x128xf32> -> vector<64x128xf32>
    %get3A_36 = arith.constant 0 : index
    %get3A_37 = arith.constant 0 : index
    %get3A_38 = vector.load %arg8[%get3A_36, %get3A_37] : memref<1x128xf32, #tpu.memory_space<vmem>>, vector<1x128xf32>
    %add3A_39 = vector.broadcast %get3A_38 : vector<1x128xf32> to vector<64x128xf32>
    %add3A_40 = arith.addf %dot_general3A_35, %add3A_39 : vector<64x128xf32>
    %get3A_41 = arith.constant 0 : index
    %get3A_42 = arith.constant 0 : index
    %get3A_43 = vector.load %arg6[%get3A_41, %get3A_42] : memref<64x128xf32, #tpu.memory_space<vmem>>, vector<64x128xf32>
    %add3A_44 = arith.addf %add3A_40, %get3A_43 : vector<64x128xf32>
    %get3A_45 = arith.constant 0 : index
    %get3A_46 = arith.constant 0 : index
    %get3A_47 = vector.load %arg9[%get3A_45, %get3A_46] : memref<1x128xf32, #tpu.memory_space<vmem>>, vector<1x128xf32>
    %get3A_48 = arith.constant 0 : index
    %get3A_49 = arith.constant 0 : index
    %get3A_50 = vector.load %arg10[%get3A_48, %get3A_49] : memref<1x128xf32, #tpu.memory_space<vmem>>, vector<1x128xf32>
    %reduce_sum3A_51 = arith.constant dense<0.000000e+00> : vector<64xf32>
    %reduce_sum3A_52 = vector.multi_reduction <add>, %add3A_44, %reduce_sum3A_51 [1] : vector<64x128xf32> to vector<64xf32>
    %broadcast_in_dim3A_53 = vector.shape_cast %reduce_sum3A_52 : vector<64xf32> to vector<64x1xf32>
    %div3A = arith.constant 1.280000e+02 : f32
    %div3A_54 = vector.broadcast %div3A : f32 to vector<64x1xf32>
    %div3A_55 = arith.divf %broadcast_in_dim3A_53, %div3A_54 : vector<64x1xf32>
    %jit3A = arith.constant 0 : i32
    %reduce_sum3A_56 = arith.constant dense<0.000000e+00> : vector<64xf32>
    %reduce_sum3A_57 = vector.multi_reduction <add>, %add3A_44, %reduce_sum3A_56 [1] : vector<64x128xf32> to vector<64xf32>
    %broadcast_in_dim3A_58 = vector.shape_cast %reduce_sum3A_57 : vector<64xf32> to vector<64x1xf32>
    %div3A_59 = arith.constant 1.280000e+02 : f32
    %div3A_60 = vector.broadcast %div3A_59 : f32 to vector<64x1xf32>
    %div3A_61 = arith.divf %broadcast_in_dim3A_58, %div3A_60 : vector<64x1xf32>
    %sub3A = vector.broadcast %div3A_61 : vector<64x1xf32> to vector<64x128xf32>
    %sub3A_62 = arith.subf %add3A_44, %sub3A : vector<64x128xf32>
    %square3A = arith.mulf %sub3A_62, %sub3A_62 : vector<64x128xf32>
    %convert_element_type3A = arith.sitofp %jit3A : i32 to f32
    %sub3A_63 = arith.constant 1.280000e+02 : f32
    %sub3A_64 = arith.subf %sub3A_63, %convert_element_type3A : f32
    %reduce_sum3A_65 = arith.constant dense<0.000000e+00> : vector<64xf32>
    %reduce_sum3A_66 = vector.multi_reduction <add>, %square3A, %reduce_sum3A_65 [1] : vector<64x128xf32> to vector<64xf32>
    %broadcast_in_dim3A_67 = vector.shape_cast %reduce_sum3A_66 : vector<64xf32> to vector<64x1xf32>
    %div3A_68 = vector.broadcast %sub3A_64 : f32 to vector<64x1xf32>
    %div3A_69 = arith.divf %broadcast_in_dim3A_67, %div3A_68 : vector<64x1xf32>
    %gt3A = arith.constant 0.000000e+00 : f32
    %gt3A_70 = arith.cmpf ogt, %sub3A_64, %gt3A : f32
    %jit3A_71 = arith.constant 0x7FC00000 : f32
    %broadcast_in_dim3A_72 = vector.broadcast %jit3A_71 : f32 to vector<64x1xf32>
    %select_n3A = arith.select %gt3A_70, %div3A_69, %broadcast_in_dim3A_72 : vector<64x1xf32>
    %sub3A_73 = vector.broadcast %div3A_55 : vector<64x1xf32> to vector<64x128xf32>
    %sub3A_74 = arith.subf %add3A_44, %sub3A_73 : vector<64x128xf32>
    %add3A_75 = arith.constant 9.99999974E-6 : f32
    %add3A_76 = vector.broadcast %add3A_75 : f32 to vector<64x1xf32>
    %add3A_77 = arith.addf %select_n3A, %add3A_76 : vector<64x1xf32>
    %sqrt3A = math.sqrt %add3A_77 : vector<64x1xf32>
    %div3A_78 = vector.broadcast %sqrt3A : vector<64x1xf32> to vector<64x128xf32>
    %div3A_79 = arith.divf %sub3A_74, %div3A_78 : vector<64x128xf32>
    %mul3A_80 = vector.broadcast %get3A_47 : vector<1x128xf32> to vector<64x128xf32>
    %mul3A_81 = arith.mulf %div3A_79, %mul3A_80 : vector<64x128xf32>
    %add3A_82 = vector.broadcast %get3A_50 : vector<1x128xf32> to vector<64x128xf32>
    %add3A_83 = arith.addf %mul3A_81, %add3A_82 : vector<64x128xf32>
    %get3A_84 = arith.constant 0 : index
    %get3A_85 = arith.constant 0 : index
    %get3A_86 = vector.load %arg11[%get3A_84, %get3A_85] : memref<128x256xf32, #tpu.memory_space<vmem>>, vector<128x256xf32>
    %dot_general3A_87 = arith.constant dense<0.000000e+00> : vector<64x256xf32>
    %dot_general3A_88 = tpu.matmul %add3A_83, %get3A_86, %dot_general3A_87 {dimension_numbers = #tpu.dot_dimension_numbers<[1], [0], [0], [1], [0, 0, 1, 1], [], []>, precision = #tpu.contract_precision<fp32>, transpose_lhs_hint = false} : vector<64x128xf32>, vector<128x256xf32>, vector<64x256xf32> -> vector<64x256xf32>
    %get3A_89 = arith.constant 0 : index
    %get3A_90 = arith.constant 0 : index
    %get3A_91 = vector.load %arg12[%get3A_89, %get3A_90] : memref<1x256xf32, #tpu.memory_space<vmem>>, vector<1x256xf32>
    %add3A_92 = vector.broadcast %get3A_91 : vector<1x256xf32> to vector<64x256xf32>
    %add3A_93 = arith.addf %dot_general3A_88, %add3A_92 : vector<64x256xf32>
    %max3A = arith.constant 0.000000e+00 : f32
    %max3A_94 = vector.broadcast %max3A : f32 to vector<64x256xf32>
    %max3A_95 = arith.maximumf %add3A_93, %max3A_94 : vector<64x256xf32>
    %get3A_96 = arith.constant 0 : index
    %get3A_97 = arith.constant 0 : index
    %get3A_98 = vector.load %arg13[%get3A_96, %get3A_97] : memref<256x128xf32, #tpu.memory_space<vmem>>, vector<256x128xf32>
    %dot_general3A_99 = arith.constant dense<0.000000e+00> : vector<64x128xf32>
    %dot_general3A_100 = tpu.matmul %max3A_95, %get3A_98, %dot_general3A_99 {dimension_numbers = #tpu.dot_dimension_numbers<[1], [0], [0], [1], [0, 0, 1, 1], [], []>, precision = #tpu.contract_precision<fp32>, transpose_lhs_hint = false} : vector<64x256xf32>, vector<256x128xf32>, vector<64x128xf32> -> vector<64x128xf32>
    %get3A_101 = arith.constant 0 : index
    %get3A_102 = arith.constant 0 : index
    %get3A_103 = vector.load %arg14[%get3A_101, %get3A_102] : memref<1x128xf32, #tpu.memory_space<vmem>>, vector<1x128xf32>
    %add3A_104 = vector.broadcast %get3A_103 : vector<1x128xf32> to vector<64x128xf32>
    %add3A_105 = arith.addf %dot_general3A_100, %add3A_104 : vector<64x128xf32>
    %add3A_106 = arith.addf %add3A_83, %add3A_105 : vector<64x128xf32>
    %get3A_107 = arith.constant 0 : index
    %get3A_108 = arith.constant 0 : index
    %get3A_109 = vector.load %arg15[%get3A_107, %get3A_108] : memref<1x128xf32, #tpu.memory_space<vmem>>, vector<1x128xf32>
    %get3A_110 = arith.constant 0 : index
    %get3A_111 = arith.constant 0 : index
    %get3A_112 = vector.load %arg16[%get3A_110, %get3A_111] : memref<1x128xf32, #tpu.memory_space<vmem>>, vector<1x128xf32>
    %reduce_sum3A_113 = arith.constant dense<0.000000e+00> : vector<64xf32>
    %reduce_sum3A_114 = vector.multi_reduction <add>, %add3A_106, %reduce_sum3A_113 [1] : vector<64x128xf32> to vector<64xf32>
    %broadcast_in_dim3A_115 = vector.shape_cast %reduce_sum3A_114 : vector<64xf32> to vector<64x1xf32>
    %div3A_116 = arith.constant 1.280000e+02 : f32
    %div3A_117 = vector.broadcast %div3A_116 : f32 to vector<64x1xf32>
    %div3A_118 = arith.divf %broadcast_in_dim3A_115, %div3A_117 : vector<64x1xf32>
    %jit3A_119 = arith.constant 0 : i32
    %reduce_sum3A_120 = arith.constant dense<0.000000e+00> : vector<64xf32>
    %reduce_sum3A_121 = vector.multi_reduction <add>, %add3A_106, %reduce_sum3A_120 [1] : vector<64x128xf32> to vector<64xf32>
    %broadcast_in_dim3A_122 = vector.shape_cast %reduce_sum3A_121 : vector<64xf32> to vector<64x1xf32>
    %div3A_123 = arith.constant 1.280000e+02 : f32
    %div3A_124 = vector.broadcast %div3A_123 : f32 to vector<64x1xf32>
    %div3A_125 = arith.divf %broadcast_in_dim3A_122, %div3A_124 : vector<64x1xf32>
    %sub3A_126 = vector.broadcast %div3A_125 : vector<64x1xf32> to vector<64x128xf32>
    %sub3A_127 = arith.subf %add3A_106, %sub3A_126 : vector<64x128xf32>
    %square3A_128 = arith.mulf %sub3A_127, %sub3A_127 : vector<64x128xf32>
    %convert_element_type3A_129 = arith.sitofp %jit3A_119 : i32 to f32
    %sub3A_130 = arith.constant 1.280000e+02 : f32
    %sub3A_131 = arith.subf %sub3A_130, %convert_element_type3A_129 : f32
    %reduce_sum3A_132 = arith.constant dense<0.000000e+00> : vector<64xf32>
    %reduce_sum3A_133 = vector.multi_reduction <add>, %square3A_128, %reduce_sum3A_132 [1] : vector<64x128xf32> to vector<64xf32>
    %broadcast_in_dim3A_134 = vector.shape_cast %reduce_sum3A_133 : vector<64xf32> to vector<64x1xf32>
    %div3A_135 = vector.broadcast %sub3A_131 : f32 to vector<64x1xf32>
    %div3A_136 = arith.divf %broadcast_in_dim3A_134, %div3A_135 : vector<64x1xf32>
    %gt3A_137 = arith.constant 0.000000e+00 : f32
    %gt3A_138 = arith.cmpf ogt, %sub3A_131, %gt3A_137 : f32
    %jit3A_139 = arith.constant 0x7FC00000 : f32
    %broadcast_in_dim3A_140 = vector.broadcast %jit3A_139 : f32 to vector<64x1xf32>
    %select_n3A_141 = arith.select %gt3A_138, %div3A_136, %broadcast_in_dim3A_140 : vector<64x1xf32>
    %sub3A_142 = vector.broadcast %div3A_118 : vector<64x1xf32> to vector<64x128xf32>
    %sub3A_143 = arith.subf %add3A_106, %sub3A_142 : vector<64x128xf32>
    %add3A_144 = arith.constant 9.99999974E-6 : f32
    %add3A_145 = vector.broadcast %add3A_144 : f32 to vector<64x1xf32>
    %add3A_146 = arith.addf %select_n3A_141, %add3A_145 : vector<64x1xf32>
    %sqrt3A_147 = math.sqrt %add3A_146 : vector<64x1xf32>
    %div3A_148 = vector.broadcast %sqrt3A_147 : vector<64x1xf32> to vector<64x128xf32>
    %div3A_149 = arith.divf %sub3A_143, %div3A_148 : vector<64x128xf32>
    %mul3A_150 = vector.broadcast %get3A_109 : vector<1x128xf32> to vector<64x128xf32>
    %mul3A_151 = arith.mulf %div3A_149, %mul3A_150 : vector<64x128xf32>
    %add3A_152 = vector.broadcast %get3A_112 : vector<1x128xf32> to vector<64x128xf32>
    %add3A_153 = arith.addf %mul3A_151, %add3A_152 : vector<64x128xf32>
    %swap3A = arith.constant 0 : index
    %swap3A_154 = arith.constant 0 : index
    %swap3A_155 = vector.load %arg17[%swap3A, %swap3A_154] : memref<64x128xf32, #tpu.memory_space<vmem>>, vector<64x128xf32>
    tpu.vector_store %arg17[%swap3A, %swap3A_154], %add3A_153 {strides = array<i32>} : memref<64x128xf32, #tpu.memory_space<vmem>>, vector<64x128xf32>,
    return
  }
  func.func @transform_0(%arg0: i32) -> (i32, i32, i32) {
    %c0_i32 = arith.constant 0 : i32
    %c0_i32_0 = arith.constant 0 : i32
    %c0_i32_1 = arith.constant 0 : i32
    return %arg0, %c0_i32, %c0_i32_0 : i32, i32, i32
  }
  func.func @transform_1(%arg0: i32) -> (i32, i32) {
    %c0_i32 = arith.constant 0 : i32
    %c0_i32_0 = arith.constant 0 : i32
    return %arg0, %c0_i32 : i32, i32
  }
  func.func @transform_2(%arg0: i32) -> (i32, i32) {
    %c0_i32 = arith.constant 0 : i32
    %c0_i32_0 = arith.constant 0 : i32
    return %arg0, %c0_i32 : i32, i32
  }
  func.func @transform_3(%arg0: i32) -> (i32, i32) {
    %c0_i32 = arith.constant 0 : i32
    %c0_i32_0 = arith.constant 0 : i32
    return %arg0, %c0_i32 : i32, i32
  }
  func.func @transform_4(%arg0: i32) -> (i32, i32) {
    %c0_i32 = arith.constant 0 : i32
    %c0_i32_0 = arith.constant 0 : i32
    return %arg0, %c0_i32 : i32, i32
  }
  func.func @transform_5(%arg0: i32) -> (i32, i32) {
    %c0_i32 = arith.constant 0 : i32
    %c0_i32_0 = arith.constant 0 : i32
    return %arg0, %c0_i32 : i32, i32
  }
  func.func @transform_6(%arg0: i32) -> (i32, i32) {
    %c0_i32 = arith.constant 0 : i32
    %c0_i32_0 = arith.constant 0 : i32
    %c0_i32_1 = arith.constant 0 : i32
    return %c0_i32, %c0_i32_0 : i32, i32
  }
  func.func @transform_7(%arg0: i32) -> (i32, i32) {
    %c0_i32 = arith.constant 0 : i32
    %c0_i32_0 = arith.constant 0 : i32
    %c0_i32_1 = arith.constant 0 : i32
    return %c0_i32, %c0_i32_0 : i32, i32
  }
  func.func @transform_8(%arg0: i32) -> (i32, i32) {
    %c0_i32 = arith.constant 0 : i32
    %c0_i32_0 = arith.constant 0 : i32
    %c0_i32_1 = arith.constant 0 : i32
    return %c0_i32, %c0_i32_0 : i32, i32
  }
  func.func @transform_9(%arg0: i32) -> (i32, i32) {
    %c0_i32 = arith.constant 0 : i32
    %c0_i32_0 = arith.constant 0 : i32
    %c0_i32_1 = arith.constant 0 : i32
    return %c0_i32, %c0_i32_0 : i32, i32
  }
  func.func @transform_10(%arg0: i32) -> (i32, i32) {
    %c0_i32 = arith.constant 0 : i32
    %c0_i32_0 = arith.constant 0 : i32
    %c0_i32_1 = arith.constant 0 : i32
    return %c0_i32, %c0_i32_0 : i32, i32
  }
  func.func @transform_11(%arg0: i32) -> (i32, i32) {
    %c0_i32 = arith.constant 0 : i32
    %c0_i32_0 = arith.constant 0 : i32
    %c0_i32_1 = arith.constant 0 : i32
    return %c0_i32, %c0_i32_0 : i32, i32
  }
  func.func @transform_12(%arg0: i32) -> (i32, i32) {
    %c0_i32 = arith.constant 0 : i32
    %c0_i32_0 = arith.constant 0 : i32
    %c0_i32_1 = arith.constant 0 : i32
    return %c0_i32, %c0_i32_0 : i32, i32
  }
  func.func @transform_13(%arg0: i32) -> (i32, i32) {
    %c0_i32 = arith.constant 0 : i32
    %c0_i32_0 = arith.constant 0 : i32
    %c0_i32_1 = arith.constant 0 : i32
    return %c0_i32, %c0_i32_0 : i32, i32
  }
  func.func @transform_14(%arg0: i32) -> (i32, i32) {
    %c0_i32 = arith.constant 0 : i32
    %c0_i32_0 = arith.constant 0 : i32
    %c0_i32_1 = arith.constant 0 : i32
    return %c0_i32, %c0_i32_0 : i32, i32
  }
  func.func @transform_15(%arg0: i32) -> (i32, i32) {
    %c0_i32 = arith.constant 0 : i32
    %c0_i32_0 = arith.constant 0 : i32
    %c0_i32_1 = arith.constant 0 : i32
    return %c0_i32, %c0_i32_0 : i32, i32
  }
  func.func @transform_16(%arg0: i32) -> (i32, i32) {
    %c0_i32 = arith.constant 0 : i32
    %c0_i32_0 = arith.constant 0 : i32
    return %arg0, %c0_i32 : i32, i32
  }
}

module attributes {stable_mosaic.version = 14 : i64} {
  func.func @_fusion_body(%arg0: i32, %arg1: memref<256x128xf32, #tpu.memory_space<vmem>>, %arg2: memref<8x128xf32, #tpu.memory_space<vmem>>, %arg3: memref<128x128xf32, #tpu.memory_space<vmem>>, %arg4: memref<128x128xf32, #tpu.memory_space<vmem>>, %arg5: memref<1x128xf32, #tpu.memory_space<vmem>>, %arg6: memref<128x2xf32, #tpu.memory_space<vmem>>, %arg7: memref<1x2xf32, #tpu.memory_space<vmem>>, %arg8: memref<256x128xf32, #tpu.memory_space<vmem>>, %arg9: memref<256x2xf32, #tpu.memory_space<vmem>>) attributes {dimension_semantics = [#tpu.dimension_semantics<arbitrary>], iteration_bounds = array<i64: 64>, scalar_prefetch = 0 : i64, scratch_operands = 0 : i64, tpu.core_type = #tpu.core_type<tc>, window_params = [{transform_indices = @transform_0, window_bounds = array<i64: 256, 128>}, {transform_indices = @transform_1, window_bounds = array<i64: 8, 128>}, {pipeline_mode = #tpu.pipeline_mode<synchronous>, transform_indices = @transform_2, window_bounds = array<i64: 128, 128>}, {pipeline_mode = #tpu.pipeline_mode<synchronous>, transform_indices = @transform_3, window_bounds = array<i64: 128, 128>}, {pipeline_mode = #tpu.pipeline_mode<synchronous>, transform_indices = @transform_4, window_bounds = array<i64: 1, 128>}, {pipeline_mode = #tpu.pipeline_mode<synchronous>, transform_indices = @transform_5, window_bounds = array<i64: 128, 2>}, {pipeline_mode = #tpu.pipeline_mode<synchronous>, transform_indices = @transform_6, window_bounds = array<i64: 1, 2>}, {transform_indices = @transform_7, window_bounds = array<i64: 256, 128>}, {transform_indices = @transform_8, window_bounds = array<i64: 256, 2>}]} {
    %get3A = arith.constant 0 : index
    %get3A_0 = arith.constant 0 : index
    %get3A_1 = vector.load %arg2[%get3A, %get3A_0] : memref<8x128xf32, #tpu.memory_space<vmem>>, vector<8x128xf32>
    %broadcast_in_dim3A = vector.shape_cast %get3A_1 : vector<8x128xf32> to vector<8x1x128xf32>
    %broadcast_in_dim3A_2 = vector.shape_cast %broadcast_in_dim3A : vector<8x1x128xf32> to vector<8x1x128xf32>
    %broadcast_in_dim3A_3 = vector.broadcast %broadcast_in_dim3A_2 : vector<8x1x128xf32> to vector<8x32x128xf32>
    %reshape3A = vector.shape_cast %broadcast_in_dim3A_3 : vector<8x32x128xf32> to vector<256x128xf32>
    %get3A_4 = arith.constant 0 : index
    %get3A_5 = arith.constant 0 : index
    %get3A_6 = vector.load %arg1[%get3A_4, %get3A_5] : memref<256x128xf32, #tpu.memory_space<vmem>>, vector<256x128xf32>
    %get3A_7 = arith.constant 0 : index
    %get3A_8 = arith.constant 0 : index
    %get3A_9 = vector.load %arg3[%get3A_7, %get3A_8] : memref<128x128xf32, #tpu.memory_space<vmem>>, vector<128x128xf32>
    %dot_general3A = arith.constant dense<0.000000e+00> : vector<256x128xf32>
    %dot_general3A_10 = tpu.matmul %get3A_6, %get3A_9, %dot_general3A {dimension_numbers = #tpu.dot_dimension_numbers<[1], [0], [0], [1], [0, 0, 1, 1], [], []>, precision = #tpu.contract_precision<fp32>, transpose_lhs_hint = false} : vector<256x128xf32>, vector<128x128xf32>, vector<256x128xf32> -> vector<256x128xf32>
    %get3A_11 = arith.constant 0 : index
    %get3A_12 = arith.constant 0 : index
    %get3A_13 = vector.load %arg4[%get3A_11, %get3A_12] : memref<128x128xf32, #tpu.memory_space<vmem>>, vector<128x128xf32>
    %dot_general3A_14 = arith.constant dense<0.000000e+00> : vector<256x128xf32>
    %dot_general3A_15 = tpu.matmul %reshape3A, %get3A_13, %dot_general3A_14 {dimension_numbers = #tpu.dot_dimension_numbers<[1], [0], [0], [1], [0, 0, 1, 1], [], []>, precision = #tpu.contract_precision<fp32>, transpose_lhs_hint = false} : vector<256x128xf32>, vector<128x128xf32>, vector<256x128xf32> -> vector<256x128xf32>
    %add3A = arith.addf %dot_general3A_10, %dot_general3A_15 : vector<256x128xf32>
    %get3A_16 = arith.constant 0 : index
    %get3A_17 = arith.constant 0 : index
    %get3A_18 = vector.load %arg5[%get3A_16, %get3A_17] : memref<1x128xf32, #tpu.memory_space<vmem>>, vector<1x128xf32>
    %add3A_19 = vector.broadcast %get3A_18 : vector<1x128xf32> to vector<256x128xf32>
    %add3A_20 = arith.addf %add3A, %add3A_19 : vector<256x128xf32>
    %swap3A = arith.constant 0 : index
    %swap3A_21 = arith.constant 0 : index
    %swap3A_22 = vector.load %arg8[%swap3A, %swap3A_21] : memref<256x128xf32, #tpu.memory_space<vmem>>, vector<256x128xf32>
    tpu.vector_store %arg8[%swap3A, %swap3A_21], %add3A_20 {strides = array<i32>} : memref<256x128xf32, #tpu.memory_space<vmem>>, vector<256x128xf32>,
    %get3A_23 = arith.constant 0 : index
    %get3A_24 = arith.constant 0 : index
    %get3A_25 = vector.load %arg6[%get3A_23, %get3A_24] : memref<128x2xf32, #tpu.memory_space<vmem>>, vector<128x2xf32>
    %dot_general3A_26 = arith.constant dense<0.000000e+00> : vector<256x2xf32>
    %dot_general3A_27 = tpu.matmul %add3A_20, %get3A_25, %dot_general3A_26 {dimension_numbers = #tpu.dot_dimension_numbers<[1], [0], [0], [1], [0, 0, 1, 1], [], []>, precision = #tpu.contract_precision<fp32>, transpose_lhs_hint = false} : vector<256x128xf32>, vector<128x2xf32>, vector<256x2xf32> -> vector<256x2xf32>
    %get3A_28 = arith.constant 0 : index
    %get3A_29 = arith.constant 0 : index
    %get3A_30 = vector.load %arg7[%get3A_28, %get3A_29] : memref<1x2xf32, #tpu.memory_space<vmem>>, vector<1x2xf32>
    %add3A_31 = vector.broadcast %get3A_30 : vector<1x2xf32> to vector<256x2xf32>
    %add3A_32 = arith.addf %dot_general3A_27, %add3A_31 : vector<256x2xf32>
    %swap3A_33 = arith.constant 0 : index
    %swap3A_34 = arith.constant 0 : index
    %swap3A_35 = vector.load %arg9[%swap3A_33, %swap3A_34] : memref<256x2xf32, #tpu.memory_space<vmem>>, vector<256x2xf32>
    tpu.vector_store %arg9[%swap3A_33, %swap3A_34], %add3A_32 {strides = array<i32>} : memref<256x2xf32, #tpu.memory_space<vmem>>, vector<256x2xf32>,
    return
  }
  func.func @transform_0(%arg0: i32) -> (i32, i32) {
    %c0_i32 = arith.constant 0 : i32
    %c0_i32_0 = arith.constant 0 : i32
    return %arg0, %c0_i32 : i32, i32
  }
  func.func @transform_1(%arg0: i32) -> (i32, i32) {
    %c0_i32 = arith.constant 0 : i32
    %c0_i32_0 = arith.constant 0 : i32
    return %arg0, %c0_i32 : i32, i32
  }
  func.func @transform_2(%arg0: i32) -> (i32, i32) {
    %c0_i32 = arith.constant 0 : i32
    %c0_i32_0 = arith.constant 0 : i32
    %c0_i32_1 = arith.constant 0 : i32
    return %c0_i32, %c0_i32_0 : i32, i32
  }
  func.func @transform_3(%arg0: i32) -> (i32, i32) {
    %c0_i32 = arith.constant 0 : i32
    %c0_i32_0 = arith.constant 0 : i32
    %c0_i32_1 = arith.constant 0 : i32
    return %c0_i32, %c0_i32_0 : i32, i32
  }
  func.func @transform_4(%arg0: i32) -> (i32, i32) {
    %c0_i32 = arith.constant 0 : i32
    %c0_i32_0 = arith.constant 0 : i32
    %c0_i32_1 = arith.constant 0 : i32
    return %c0_i32, %c0_i32_0 : i32, i32
  }
  func.func @transform_5(%arg0: i32) -> (i32, i32) {
    %c0_i32 = arith.constant 0 : i32
    %c0_i32_0 = arith.constant 0 : i32
    %c0_i32_1 = arith.constant 0 : i32
    return %c0_i32, %c0_i32_0 : i32, i32
  }
  func.func @transform_6(%arg0: i32) -> (i32, i32) {
    %c0_i32 = arith.constant 0 : i32
    %c0_i32_0 = arith.constant 0 : i32
    %c0_i32_1 = arith.constant 0 : i32
    return %c0_i32, %c0_i32_0 : i32, i32
  }
  func.func @transform_7(%arg0: i32) -> (i32, i32) {
    %c0_i32 = arith.constant 0 : i32
    %c0_i32_0 = arith.constant 0 : i32
    return %arg0, %c0_i32 : i32, i32
  }
  func.func @transform_8(%arg0: i32) -> (i32, i32) {
    %c0_i32 = arith.constant 0 : i32
    %c0_i32_0 = arith.constant 0 : i32
    return %arg0, %c0_i32 : i32, i32
  }
}

module attributes {stable_mosaic.version = 14 : i64} {
  func.func @_mha_body(%arg0: i32, %arg1: memref<2048x128xf32, #tpu.memory_space<vmem>>, %arg2: memref<64x128xf32, #tpu.memory_space<vmem>>, %arg3: memref<128x128xf32, #tpu.memory_space<vmem>>, %arg4: memref<128x128xf32, #tpu.memory_space<vmem>>, %arg5: memref<128x128xf32, #tpu.memory_space<vmem>>, %arg6: memref<128x128xf32, #tpu.memory_space<vmem>>, %arg7: memref<1x128xf32, #tpu.memory_space<vmem>>, %arg8: memref<1x128xf32, #tpu.memory_space<vmem>>, %arg9: memref<1x128xf32, #tpu.memory_space<vmem>>, %arg10: memref<128x128xf32, #tpu.memory_space<vmem>>, %arg11: memref<128x128xf32, #tpu.memory_space<vmem>>, %arg12: memref<1x128xf32, #tpu.memory_space<vmem>>, %arg13: memref<128x128xf32, #tpu.memory_space<vmem>>, %arg14: memref<128x128xf32, #tpu.memory_space<vmem>>, %arg15: memref<64x2048xf32, #tpu.memory_space<vmem>>, %arg16: memref<64x128xf32, #tpu.memory_space<vmem>>) attributes {dimension_semantics = [#tpu.dimension_semantics<arbitrary>], iteration_bounds = array<i64: 8>, scalar_prefetch = 0 : i64, scratch_operands = 0 : i64, tpu.core_type = #tpu.core_type<tc>, window_params = [{transform_indices = @transform_0, window_bounds = array<i64: 2048, 128>}, {transform_indices = @transform_1, window_bounds = array<i64: 64, 128>}, {pipeline_mode = #tpu.pipeline_mode<synchronous>, transform_indices = @transform_2, window_bounds = array<i64: 128, 128>}, {pipeline_mode = #tpu.pipeline_mode<synchronous>, transform_indices = @transform_3, window_bounds = array<i64: 128, 128>}, {pipeline_mode = #tpu.pipeline_mode<synchronous>, transform_indices = @transform_4, window_bounds = array<i64: 128, 128>}, {pipeline_mode = #tpu.pipeline_mode<synchronous>, transform_indices = @transform_5, window_bounds = array<i64: 128, 128>}, {pipeline_mode = #tpu.pipeline_mode<synchronous>, transform_indices = @transform_6, window_bounds = array<i64: 1, 128>}, {pipeline_mode = #tpu.pipeline_mode<synchronous>, transform_indices = @transform_7, window_bounds = array<i64: 1, 128>}, {pipeline_mode = #tpu.pipeline_mode<synchronous>, transform_indices = @transform_8, window_bounds = array<i64: 1, 128>}, {pipeline_mode = #tpu.pipeline_mode<synchronous>, transform_indices = @transform_9, window_bounds = array<i64: 128, 128>}, {pipeline_mode = #tpu.pipeline_mode<synchronous>, transform_indices = @transform_10, window_bounds = array<i64: 128, 128>}, {pipeline_mode = #tpu.pipeline_mode<synchronous>, transform_indices = @transform_11, window_bounds = array<i64: 1, 128>}, {pipeline_mode = #tpu.pipeline_mode<synchronous>, transform_indices = @transform_12, window_bounds = array<i64: 128, 128>}, {pipeline_mode = #tpu.pipeline_mode<synchronous>, transform_indices = @transform_13, window_bounds = array<i64: 128, 128>}, {pipeline_mode = #tpu.pipeline_mode<synchronous>, transform_indices = @transform_14, window_bounds = array<i64: 64, 2048>}, {transform_indices = @transform_15, window_bounds = array<i64: 64, 128>}]} {
    %get3A = arith.constant 0 : index
    %get3A_0 = arith.constant 0 : index
    %get3A_1 = vector.load %arg1[%get3A, %get3A_0] : memref<2048x128xf32, #tpu.memory_space<vmem>>, vector<2048x128xf32>
    %get3A_2 = arith.constant 0 : index
    %get3A_3 = arith.constant 0 : index
    %get3A_4 = vector.load %arg2[%get3A_2, %get3A_3] : memref<64x128xf32, #tpu.memory_space<vmem>>, vector<64x128xf32>
    %get3A_5 = arith.constant 0 : index
    %get3A_6 = arith.constant 0 : index
    %get3A_7 = vector.load %arg4[%get3A_5, %get3A_6] : memref<128x128xf32, #tpu.memory_space<vmem>>, vector<128x128xf32>
    %dot_general3A = arith.constant dense<0.000000e+00> : vector<2048x128xf32>
    %dot_general3A_8 = tpu.matmul %get3A_1, %get3A_7, %dot_general3A {dimension_numbers = #tpu.dot_dimension_numbers<[1], [0], [0], [1], [0, 0, 1, 1], [], []>, precision = #tpu.contract_precision<fp32>, transpose_lhs_hint = false} : vector<2048x128xf32>, vector<128x128xf32>, vector<2048x128xf32> -> vector<2048x128xf32>
    %get3A_9 = arith.constant 0 : index
    %get3A_10 = arith.constant 0 : index
    %get3A_11 = vector.load %arg5[%get3A_9, %get3A_10] : memref<128x128xf32, #tpu.memory_space<vmem>>, vector<128x128xf32>
    %dot_general3A_12 = arith.constant dense<0.000000e+00> : vector<2048x128xf32>
    %dot_general3A_13 = tpu.matmul %get3A_1, %get3A_11, %dot_general3A_12 {dimension_numbers = #tpu.dot_dimension_numbers<[1], [0], [0], [1], [0, 0, 1, 1], [], []>, precision = #tpu.contract_precision<fp32>, transpose_lhs_hint = false} : vector<2048x128xf32>, vector<128x128xf32>, vector<2048x128xf32> -> vector<2048x128xf32>
    %get3A_14 = arith.constant 0 : index
    %get3A_15 = arith.constant 0 : index
    %get3A_16 = vector.load %arg3[%get3A_14, %get3A_15] : memref<128x128xf32, #tpu.memory_space<vmem>>, vector<128x128xf32>
    %dot_general3A_17 = arith.constant dense<0.000000e+00> : vector<64x128xf32>
    %dot_general3A_18 = tpu.matmul %get3A_4, %get3A_16, %dot_general3A_17 {dimension_numbers = #tpu.dot_dimension_numbers<[1], [0], [0], [1], [0, 0, 1, 1], [], []>, precision = #tpu.contract_precision<fp32>, transpose_lhs_hint = false} : vector<64x128xf32>, vector<128x128xf32>, vector<64x128xf32> -> vector<64x128xf32>
    %broadcast_in_dim3A = vector.shape_cast %dot_general3A_18 : vector<64x128xf32> to vector<64x1x128xf32>
    %broadcast_in_dim3A_19 = vector.shape_cast %broadcast_in_dim3A : vector<64x1x128xf32> to vector<64x1x128xf32>
    %broadcast_in_dim3A_20 = vector.broadcast %broadcast_in_dim3A_19 : vector<64x1x128xf32> to vector<64x32x128xf32>
    %reshape3A = vector.shape_cast %broadcast_in_dim3A_20 : vector<64x32x128xf32> to vector<2048x128xf32>
    %mul3A = arith.mulf %reshape3A, %dot_general3A_8 : vector<2048x128xf32>
    %get3A_21 = arith.constant 0 : index
    %get3A_22 = arith.constant 0 : index
    %get3A_23 = vector.load %arg13[%get3A_21, %get3A_22] : memref<128x128xf32, #tpu.memory_space<vmem>>, vector<128x128xf32>
    %dot_general3A_24 = arith.constant dense<0.000000e+00> : vector<2048x128xf32>
    %dot_general3A_25 = tpu.matmul %mul3A, %get3A_23, %dot_general3A_24 {dimension_numbers = #tpu.dot_dimension_numbers<[1], [0], [0], [1], [0, 0, 1, 1], [], []>, precision = #tpu.contract_precision<fp32>, transpose_lhs_hint = false} : vector<2048x128xf32>, vector<128x128xf32>, vector<2048x128xf32> -> vector<2048x128xf32>
    %div3A = arith.constant 4.000000e+00 : f32
    %div3A_26 = vector.broadcast %div3A : f32 to vector<2048x128xf32>
    %div3A_27 = arith.divf %dot_general3A_25, %div3A_26 : vector<2048x128xf32>
    %reshape3A_28 = vector.shape_cast %div3A_27 : vector<2048x128xf32> to vector<64x32x128xf32>
    %reduce_max3A = arith.constant dense<0xFF800000> : vector<64x128xf32>
    %reduce_max3A_29 = vector.multi_reduction <maximumf>, %reshape3A_28, %reduce_max3A [1] : vector<64x32x128xf32> to vector<64x128xf32>
    %broadcast_in_dim3A_30 = vector.shape_cast %reduce_max3A_29 : vector<64x128xf32> to vector<64x1x128xf32>
    %sub3A = vector.broadcast %broadcast_in_dim3A_30 : vector<64x1x128xf32> to vector<64x32x128xf32>
    %sub3A_31 = arith.subf %reshape3A_28, %sub3A : vector<64x32x128xf32>
    %exp3A = math.exp %sub3A_31 : vector<64x32x128xf32>
    %reduce_sum3A = arith.constant dense<0.000000e+00> : vector<64x128xf32>
    %reduce_sum3A_32 = vector.multi_reduction <add>, %exp3A, %reduce_sum3A [1] : vector<64x32x128xf32> to vector<64x128xf32>
    %broadcast_in_dim3A_33 = vector.shape_cast %reduce_sum3A_32 : vector<64x128xf32> to vector<64x1x128xf32>
    %div3A_34 = vector.broadcast %broadcast_in_dim3A_33 : vector<64x1x128xf32> to vector<64x32x128xf32>
    %div3A_35 = arith.divf %exp3A, %div3A_34 : vector<64x32x128xf32>
    %reshape3A_36 = vector.shape_cast %div3A_35 : vector<64x32x128xf32> to vector<2048x128xf32>
    %get3A_37 = arith.constant 0 : index
    %get3A_38 = arith.constant 0 : index
    %get3A_39 = vector.load %arg14[%get3A_37, %get3A_38] : memref<128x128xf32, #tpu.memory_space<vmem>>, vector<128x128xf32>
    %dot_general3A_40 = arith.constant dense<0.000000e+00> : vector<2048x128xf32>
    %dot_general3A_41 = tpu.matmul %reshape3A_36, %get3A_39, %dot_general3A_40 {dimension_numbers = #tpu.dot_dimension_numbers<[1], [0], [0], [1], [0, 0, 1, 1], [], []>, precision = #tpu.contract_precision<fp32>, transpose_lhs_hint = false} : vector<2048x128xf32>, vector<128x128xf32>, vector<2048x128xf32> -> vector<2048x128xf32>
    %get3A_42 = arith.constant 0 : index
    %get3A_43 = arith.constant 0 : index
    %get3A_44 = vector.load %arg15[%get3A_42, %get3A_43] : memref<64x2048xf32, #tpu.memory_space<vmem>>, vector<64x2048xf32>
    %mul3A_45 = arith.mulf %dot_general3A_41, %dot_general3A_13 : vector<2048x128xf32>
    %dot_general3A_46 = arith.constant dense<0.000000e+00> : vector<64x128xf32>
    %dot_general3A_47 = tpu.matmul %get3A_44, %mul3A_45, %dot_general3A_46 {dimension_numbers = #tpu.dot_dimension_numbers<[1], [0], [0], [1], [0, 0, 1, 1], [], []>, precision = #tpu.contract_precision<fp32>, transpose_lhs_hint = false} : vector<64x2048xf32>, vector<2048x128xf32>, vector<64x128xf32> -> vector<64x128xf32>
    %get3A_48 = arith.constant 0 : index
    %get3A_49 = arith.constant 0 : index
    %get3A_50 = vector.load %arg6[%get3A_48, %get3A_49] : memref<128x128xf32, #tpu.memory_space<vmem>>, vector<128x128xf32>
    %dot_general3A_51 = arith.constant dense<0.000000e+00> : vector<64x128xf32>
    %dot_general3A_52 = tpu.matmul %dot_general3A_47, %get3A_50, %dot_general3A_51 {dimension_numbers = #tpu.dot_dimension_numbers<[1], [0], [0], [1], [0, 0, 1, 1], [], []>, precision = #tpu.contract_precision<fp32>, transpose_lhs_hint = false} : vector<64x128xf32>, vector<128x128xf32>, vector<64x128xf32> -> vector<64x128xf32>
    %get3A_53 = arith.constant 0 : index
    %get3A_54 = arith.constant 0 : index
    %get3A_55 = vector.load %arg7[%get3A_53, %get3A_54] : memref<1x128xf32, #tpu.memory_space<vmem>>, vector<1x128xf32>
    %add3A = vector.broadcast %get3A_55 : vector<1x128xf32> to vector<64x128xf32>
    %add3A_56 = arith.addf %dot_general3A_52, %add3A : vector<64x128xf32>
    %add3A_57 = arith.addf %get3A_4, %add3A_56 : vector<64x128xf32>
    %get3A_58 = arith.constant 0 : index
    %get3A_59 = arith.constant 0 : index
    %get3A_60 = vector.load %arg8[%get3A_58, %get3A_59] : memref<1x128xf32, #tpu.memory_space<vmem>>, vector<1x128xf32>
    %get3A_61 = arith.constant 0 : index
    %get3A_62 = arith.constant 0 : index
    %get3A_63 = vector.load %arg9[%get3A_61, %get3A_62] : memref<1x128xf32, #tpu.memory_space<vmem>>, vector<1x128xf32>
    %reduce_sum3A_64 = arith.constant dense<0.000000e+00> : vector<64xf32>
    %reduce_sum3A_65 = vector.multi_reduction <add>, %add3A_57, %reduce_sum3A_64 [1] : vector<64x128xf32> to vector<64xf32>
    %broadcast_in_dim3A_66 = vector.shape_cast %reduce_sum3A_65 : vector<64xf32> to vector<64x1xf32>
    %div3A_67 = arith.constant 1.280000e+02 : f32
    %div3A_68 = vector.broadcast %div3A_67 : f32 to vector<64x1xf32>
    %div3A_69 = arith.divf %broadcast_in_dim3A_66, %div3A_68 : vector<64x1xf32>
    %jit3A = arith.constant 0 : i32
    %reduce_sum3A_70 = arith.constant dense<0.000000e+00> : vector<64xf32>
    %reduce_sum3A_71 = vector.multi_reduction <add>, %add3A_57, %reduce_sum3A_70 [1] : vector<64x128xf32> to vector<64xf32>
    %broadcast_in_dim3A_72 = vector.shape_cast %reduce_sum3A_71 : vector<64xf32> to vector<64x1xf32>
    %div3A_73 = arith.constant 1.280000e+02 : f32
    %div3A_74 = vector.broadcast %div3A_73 : f32 to vector<64x1xf32>
    %div3A_75 = arith.divf %broadcast_in_dim3A_72, %div3A_74 : vector<64x1xf32>
    %sub3A_76 = vector.broadcast %div3A_75 : vector<64x1xf32> to vector<64x128xf32>
    %sub3A_77 = arith.subf %add3A_57, %sub3A_76 : vector<64x128xf32>
    %square3A = arith.mulf %sub3A_77, %sub3A_77 : vector<64x128xf32>
    %convert_element_type3A = arith.sitofp %jit3A : i32 to f32
    %sub3A_78 = arith.constant 1.280000e+02 : f32
    %sub3A_79 = arith.subf %sub3A_78, %convert_element_type3A : f32
    %reduce_sum3A_80 = arith.constant dense<0.000000e+00> : vector<64xf32>
    %reduce_sum3A_81 = vector.multi_reduction <add>, %square3A, %reduce_sum3A_80 [1] : vector<64x128xf32> to vector<64xf32>
    %broadcast_in_dim3A_82 = vector.shape_cast %reduce_sum3A_81 : vector<64xf32> to vector<64x1xf32>
    %div3A_83 = vector.broadcast %sub3A_79 : f32 to vector<64x1xf32>
    %div3A_84 = arith.divf %broadcast_in_dim3A_82, %div3A_83 : vector<64x1xf32>
    %gt3A = arith.constant 0.000000e+00 : f32
    %gt3A_85 = arith.cmpf ogt, %sub3A_79, %gt3A : f32
    %jit3A_86 = arith.constant 0x7FC00000 : f32
    %broadcast_in_dim3A_87 = vector.broadcast %jit3A_86 : f32 to vector<64x1xf32>
    %select_n3A = arith.select %gt3A_85, %div3A_84, %broadcast_in_dim3A_87 : vector<64x1xf32>
    %sub3A_88 = vector.broadcast %div3A_69 : vector<64x1xf32> to vector<64x128xf32>
    %sub3A_89 = arith.subf %add3A_57, %sub3A_88 : vector<64x128xf32>
    %add3A_90 = arith.constant 9.99999974E-6 : f32
    %add3A_91 = vector.broadcast %add3A_90 : f32 to vector<64x1xf32>
    %add3A_92 = arith.addf %select_n3A, %add3A_91 : vector<64x1xf32>
    %sqrt3A = math.sqrt %add3A_92 : vector<64x1xf32>
    %div3A_93 = vector.broadcast %sqrt3A : vector<64x1xf32> to vector<64x128xf32>
    %div3A_94 = arith.divf %sub3A_89, %div3A_93 : vector<64x128xf32>
    %mul3A_95 = vector.broadcast %get3A_60 : vector<1x128xf32> to vector<64x128xf32>
    %mul3A_96 = arith.mulf %div3A_94, %mul3A_95 : vector<64x128xf32>
    %add3A_97 = vector.broadcast %get3A_63 : vector<1x128xf32> to vector<64x128xf32>
    %add3A_98 = arith.addf %mul3A_96, %add3A_97 : vector<64x128xf32>
    %get3A_99 = arith.constant 0 : index
    %get3A_100 = arith.constant 0 : index
    %get3A_101 = vector.load %arg10[%get3A_99, %get3A_100] : memref<128x128xf32, #tpu.memory_space<vmem>>, vector<128x128xf32>
    %dot_general3A_102 = arith.constant dense<0.000000e+00> : vector<64x128xf32>
    %dot_general3A_103 = tpu.matmul %add3A_98, %get3A_101, %dot_general3A_102 {dimension_numbers = #tpu.dot_dimension_numbers<[1], [0], [0], [1], [0, 0, 1, 1], [], []>, precision = #tpu.contract_precision<fp32>, transpose_lhs_hint = false} : vector<64x128xf32>, vector<128x128xf32>, vector<64x128xf32> -> vector<64x128xf32>
    %get3A_104 = arith.constant 0 : index
    %get3A_105 = arith.constant 0 : index
    %get3A_106 = vector.load %arg11[%get3A_104, %get3A_105] : memref<128x128xf32, #tpu.memory_space<vmem>>, vector<128x128xf32>
    %dot_general3A_107 = arith.constant dense<0.000000e+00> : vector<64x128xf32>
    %dot_general3A_108 = tpu.matmul %get3A_4, %get3A_106, %dot_general3A_107 {dimension_numbers = #tpu.dot_dimension_numbers<[1], [0], [0], [1], [0, 0, 1, 1], [], []>, precision = #tpu.contract_precision<fp32>, transpose_lhs_hint = false} : vector<64x128xf32>, vector<128x128xf32>, vector<64x128xf32> -> vector<64x128xf32>
    %add3A_109 = arith.addf %dot_general3A_103, %dot_general3A_108 : vector<64x128xf32>
    %get3A_110 = arith.constant 0 : index
    %get3A_111 = arith.constant 0 : index
    %get3A_112 = vector.load %arg12[%get3A_110, %get3A_111] : memref<1x128xf32, #tpu.memory_space<vmem>>, vector<1x128xf32>
    %add3A_113 = vector.broadcast %get3A_112 : vector<1x128xf32> to vector<64x128xf32>
    %add3A_114 = arith.addf %add3A_109, %add3A_113 : vector<64x128xf32>
    %swap3A = arith.constant 0 : index
    %swap3A_115 = arith.constant 0 : index
    %swap3A_116 = vector.load %arg16[%swap3A, %swap3A_115] : memref<64x128xf32, #tpu.memory_space<vmem>>, vector<64x128xf32>
    tpu.vector_store %arg16[%swap3A, %swap3A_115], %add3A_114 {strides = array<i32>} : memref<64x128xf32, #tpu.memory_space<vmem>>, vector<64x128xf32>,
    return
  }
  func.func @transform_0(%arg0: i32) -> (i32, i32) {
    %c0_i32 = arith.constant 0 : i32
    %c0_i32_0 = arith.constant 0 : i32
    return %arg0, %c0_i32 : i32, i32
  }
  func.func @transform_1(%arg0: i32) -> (i32, i32) {
    %c0_i32 = arith.constant 0 : i32
    %c0_i32_0 = arith.constant 0 : i32
    return %arg0, %c0_i32 : i32, i32
  }
  func.func @transform_2(%arg0: i32) -> (i32, i32) {
    %c0_i32 = arith.constant 0 : i32
    %c0_i32_0 = arith.constant 0 : i32
    %c0_i32_1 = arith.constant 0 : i32
    return %c0_i32, %c0_i32_0 : i32, i32
  }
  func.func @transform_3(%arg0: i32) -> (i32, i32) {
    %c0_i32 = arith.constant 0 : i32
    %c0_i32_0 = arith.constant 0 : i32
    %c0_i32_1 = arith.constant 0 : i32
    return %c0_i32, %c0_i32_0 : i32, i32
  }
  func.func @transform_4(%arg0: i32) -> (i32, i32) {
    %c0_i32 = arith.constant 0 : i32
    %c0_i32_0 = arith.constant 0 : i32
    %c0_i32_1 = arith.constant 0 : i32
    return %c0_i32, %c0_i32_0 : i32, i32
  }
  func.func @transform_5(%arg0: i32) -> (i32, i32) {
    %c0_i32 = arith.constant 0 : i32
    %c0_i32_0 = arith.constant 0 : i32
    %c0_i32_1 = arith.constant 0 : i32
    return %c0_i32, %c0_i32_0 : i32, i32
  }
  func.func @transform_6(%arg0: i32) -> (i32, i32) {
    %c0_i32 = arith.constant 0 : i32
    %c0_i32_0 = arith.constant 0 : i32
    %c0_i32_1 = arith.constant 0 : i32
    return %c0_i32, %c0_i32_0 : i32, i32
  }
  func.func @transform_7(%arg0: i32) -> (i32, i32) {
    %c0_i32 = arith.constant 0 : i32
    %c0_i32_0 = arith.constant 0 : i32
    %c0_i32_1 = arith.constant 0 : i32
    return %c0_i32, %c0_i32_0 : i32, i32
  }
  func.func @transform_8(%arg0: i32) -> (i32, i32) {
    %c0_i32 = arith.constant 0 : i32
    %c0_i32_0 = arith.constant 0 : i32
    %c0_i32_1 = arith.constant 0 : i32
    return %c0_i32, %c0_i32_0 : i32, i32
  }
  func.func @transform_9(%arg0: i32) -> (i32, i32) {
    %c0_i32 = arith.constant 0 : i32
    %c0_i32_0 = arith.constant 0 : i32
    %c0_i32_1 = arith.constant 0 : i32
    return %c0_i32, %c0_i32_0 : i32, i32
  }
  func.func @transform_10(%arg0: i32) -> (i32, i32) {
    %c0_i32 = arith.constant 0 : i32
    %c0_i32_0 = arith.constant 0 : i32
    %c0_i32_1 = arith.constant 0 : i32
    return %c0_i32, %c0_i32_0 : i32, i32
  }
  func.func @transform_11(%arg0: i32) -> (i32, i32) {
    %c0_i32 = arith.constant 0 : i32
    %c0_i32_0 = arith.constant 0 : i32
    %c0_i32_1 = arith.constant 0 : i32
    return %c0_i32, %c0_i32_0 : i32, i32
  }
  func.func @transform_12(%arg0: i32) -> (i32, i32) {
    %c0_i32 = arith.constant 0 : i32
    %c0_i32_0 = arith.constant 0 : i32
    %c0_i32_1 = arith.constant 0 : i32
    return %c0_i32, %c0_i32_0 : i32, i32
  }
  func.func @transform_13(%arg0: i32) -> (i32, i32) {
    %c0_i32 = arith.constant 0 : i32
    %c0_i32_0 = arith.constant 0 : i32
    %c0_i32_1 = arith.constant 0 : i32
    return %c0_i32, %c0_i32_0 : i32, i32
  }
  func.func @transform_14(%arg0: i32) -> (i32, i32) {
    %c0_i32 = arith.constant 0 : i32
    %c0_i32_0 = arith.constant 0 : i32
    %c0_i32_1 = arith.constant 0 : i32
    return %c0_i32, %c0_i32_0 : i32, i32
  }
  func.func @transform_15(%arg0: i32) -> (i32, i32) {
    %c0_i32 = arith.constant 0 : i32
    %c0_i32_0 = arith.constant 0 : i32
    return %arg0, %c0_i32 : i32, i32
  }
}

</mosaic_0001>

<sc_bundles>
// kernel: kernel.15.cloned.1.call-start
scs
__scs_entry_jumppad:
0x0: {  	(pc) =	sbr.rel $0x88, $3  }
0x1: {  	(tag) =	ssettag $0x0;
	lr =	simm.s32 $0x1  }
0x2: {  	[smem:$0x3F6C] =	sst lr;
	_ =	strace $0xD0000000  }
0x3: {  	_ = 	snop  }
0x4: {  	_ = 	snop  }
0x5: {  	_ = 	snop  }
0x6: {  	_ = 	snop  }
0x7: {  	_ = 	snop  }
__scs_overlays_trampoline_lowered:
0x8: {  	[smem:$0x3F7B] =	sst s0  }
0x9: {  	[smem:$0x3F7C] =	sst s1  }
0xa: {  	[smem:$0x3F7D] =	sst s2  }
0xb: {  	[smem:$0x3F7E] =	sst s3  }
0xc: {  	[smem:$0x3F7F] =	sst s4  }
0xd: {  	[smem:$0x3F80] =	sst s5  }
0xe: {  	[smem:$0x3F81] =	sst s6  }
0xf: {  	[smem:$0x3F82] =	sst s7  }
0x10: {  	[smem:$0x3F83] =	sst s8  }
0x11: {  	[smem:$0x3F84] =	sst s9;
	s0 =	simm.s32 @!p0 $0x0  }
0x12: {  	s1 =	sld [smem:$0x3F6A];
	s0 =	simm.s32 @p0 $0x1  }
0x13: {  	[smem:$0x3F85] =	sst s0;
	s0 =	simm.s32 @!p1 $0x0  }
0x14: {  	s2 =	sld [smem:$0x3F69];
	s0 =	simm.s32 @p1 $0x1  }
0x15: {  	[smem:$0x3F86] =	sst s0;
	s0 =	simm.s32 @!p2 $0x0  }
0x16: {  	s3 =	sld [smem:$0x3FDB];
	s0 =	simm.s32 @p2 $0x1  }
0x17: {  	s4 =	simm.s32 $0x1BF5;
	[smem:$0x3F88] =	sst s0  }
0x18: {  	s0 =	sld [smem:$0x3F6B];
	_ =	swait.ge [sflag:s4], $0x0  }
0x19: {  	s7 =	sld [smem:$0x3F6C]  }
0x1a: {  	s8 =	sadd.s32 $0xFFFFE003, lr  }
0x1b: {  	s9 =	sadd.s32 $0xFFFFFEF7, lr;
	s5 =	simm.s32 $0xFFFFFFFF;
	p2 =	slt.u32 s8, $0xFFFFF086  }
0x1c: {  	p1 =	slt.u32 s9, $0xF7A;
	s5 =	simm.s32 @!p2 $0x0  }
0x1d: {  	s5 =	simm.s32 @p1 $0x1;
	p0 =	seq.s32 s7, s2  }
0x1e: {  	s7 =	smul.u32 @!p0 $0xF7A, s2;
	p2 =	seq.s32 @!p0 s5, $0x0  }
0x1f: {  	s9 =	smul.u32 $0xF7A, s1;
	s8 =	simm.s32 @!p0 $0x1BF5;
	p2 =	por !p2, p0  }
0x20: {  	[sflag:s8] =	ssyncset.s32 @!p0 $0xFFFFF086;
	s6 =	sadd.s32 @!p0 s3, s7;
	s7 =	simm.s32 @!p0 $0x108  }
0x21: {  	s3 =	sadd.s32 s3, s9;
	s6 =	sadd.s32 @!p0 $0x88, s6;
	s7 =	simm.s32 @p2 $0x1082  }
0x22: {  	[simem:s7], [sflag:s8] =	dma.local @!p0 [hbm:s6], $0xF7A  }
0x23: {  	s9 =	sor.u32 $0xD0000000, s2;
	s6 =	simm.s32 $0x108;
	_ =	swait.ge @!p0 [sflag:s8], $0x0  }
0x24: {  	s3 =	sadd.s32 $0x88, s3;
	s6 =	simm.s32 @!p1 $0x1082;
	[sflag:s4] =	ssyncset.s32 $0xFFFFF086  }
0x25: {  	[simem:s6], [sflag:s4] =	dma.local [hbm:s3], $0xF7A  }
0x26: {  	[smem:$0x3F6C] =	sst s1;
	(tag) =	ssettag s2;
	_ =	strace s9  }
0x27: {  	s1 =	sld [smem:$0x3F7C]  }
0x28: {  	s2 =	sld [smem:$0x3F7D]  }
0x29: {  	s4 =	sld [smem:$0x3F7F]  }
0x2a: {  	p0 =	seq.s32 s5, $0x0;
	s5 =	sld [smem:$0x3F80]  }
0x2b: {  	s6 =	sld [smem:$0x3F81]  }
0x2c: {  	s7 =	sld [smem:$0x3F82]  }
0x2d: {  	s3 =	simm.s32 $0x108;
	s8 =	sld [smem:$0x3F83]  }
0x2e: {  	s3 =	simm.s32 @!p0 $0x1082;
	s9 =	sld [smem:$0x3F84]  }
0x2f: {  	lr =	sadd.s32 s0, s3;
	s0 =	sld [smem:$0x3F7B]  }
0x30: {  	s3 =	sld [smem:$0x3F7E]  }
0x31: {  	[smem:$0x3F87] =	sst s10  }
0x32: {  	s10 =	sld [smem:$0x3F85];
	_ =	sdelay $0x3  }
0x33: {  	p0 =	seq.s32 s10, $0x1;
	s10 =	sld [smem:$0x3F87];
	_ =	sdelay $0x3  }
0x34: {  	[smem:$0x3F87] =	sst s10  }
0x35: {  	s10 =	sld [smem:$0x3F86];
	_ =	sdelay $0x3  }
0x36: {  	p1 =	seq.s32 s10, $0x1;
	s10 =	sld [smem:$0x3F87];
	_ =	sdelay $0x3  }
0x37: {  	[smem:$0x3F87] =	sst s10  }
0x38: {  	s10 =	sld [smem:$0x3F88]  }
0x39: {  	_ = 	snop;
	(pc) =	sbr.ind lr, $3  }
0x3a: {  	_ = 	snop  }
0x3b: {  	_ = 	snop  }
0x3c: {  	p2 =	seq.s32 s10, $0x1;
	s10 =	sld [smem:$0x3F87]  }
0x3d: {  	_ =	shalt  }
0x3e: {  	_ =	shalt  }
0x3f: {  	_ =	shalt  }
0x40: {  	_ =	shalt  }
0x41: {  	_ =	shalt  }
0x42: {  	_ =	shalt  }
0x43: {  	_ =	shalt  }
0x44: {  	_ =	shalt  }
0x45: {  	_ =	shalt  }
0x46: {  	_ =	shalt  }
0x47: {  	_ =	shalt  }
0x48: {  	_ =	shalt  }
0x49: {  	_ =	shalt  }
0x4a: {  	_ =	shalt  }
0x4b: {  	_ =	shalt  }
0x4c: {  	_ =	shalt  }
0x4d: {  	_ =	shalt  }
0x4e: {  	_ =	shalt  }
0x4f: {  	_ =	shalt  }
0x50: {  	_ =	shalt  }
0x51: {  	_ =	shalt  }
0x52: {  	_ =	shalt  }
0x53: {  	_ =	shalt  }
0x54: {  	_ =	shalt  }
0x55: {  	_ =	shalt  }
0x56: {  	_ =	shalt  }
0x57: {  	_ =	shalt  }
0x58: {  	_ =	shalt  }
0x59: {  	_ =	shalt  }
0x5a: {  	_ =	shalt  }
0x5b: {  	_ =	shalt  }
0x5c: {  	_ =	shalt  }
0x5d: {  	_ =	shalt  }
0x5e: {  	_ =	shalt  }
0x5f: {  	_ =	shalt  }
0x60: {  	_ =	shalt  }
0x61: {  	_ =	shalt  }
0x62: {  	_ =	shalt  }
0x63: {  	_ =	shalt  }
0x64: {  	_ =	shalt  }
0x65: {  	_ =	shalt  }
0x66: {  	_ =	shalt  }
0x67: {  	_ =	shalt  }
0x68: {  	_ =	shalt  }
0x69: {  	_ =	shalt  }
0x6a: {  	_ =	shalt  }
0x6b: {  	_ =	shalt  }
0x6c: {  	_ =	shalt  }
0x6d: {  	_ =	shalt  }
0x6e: {  	_ =	shalt  }
0x6f: {  	_ =	shalt  }
0x70: {  	_ =	shalt  }
0x71: {  	_ =	shalt  }
0x72: {  	_ =	shalt  }
0x73: {  	_ =	shalt  }
0x74: {  	_ =	shalt  }
0x75: {  	_ =	shalt  }
0x76: {  	_ =	shalt  }
0x77: {  	_ =	shalt  }
0x78: {  	_ =	shalt  }
0x79: {  	_ =	shalt  }
0x7a: {  	_ =	shalt  }
0x7b: {  	_ =	shalt  }
0x7c: {  	_ =	shalt  }
0x7d: {  	_ =	shalt  }
0x7e: {  	_ =	shalt  }
0x7f: {  	_ =	shalt  }
0x80: {  	_ =	shalt  }
0x81: {  	_ =	shalt  }
0x82: {  	_ =	shalt  }
0x83: {  	_ =	shalt  }
0x84: {  	_ =	shalt  }
0x85: {  	_ =	shalt  }
0x86: {  	_ =	shalt  }
0x87: {  	_ =	shalt  }
.Lfunc_end0:
.L_simem_size_0:
called_computation_lowered:
.L_overlay_start_0:
0x88: {  	s2 =	sld [smem:$0x3FD9]  }
0x89: {  	s3 =	sld [smem:$0x3FFE];
	_ =	sdelay $0x1  }
0x8a: {  	s1 =	srdreg.scid  }
0x8b: {  	s0 =	sand.u32 $0x1, s1  }
0x8c: {  	s16 =	sshll.u32 s0, $0xA;
	s2 =	sadd.s32 s3, s2  }
0x8d: {  	s2 =	sadd.s32 s2, s16  }
0x8e: {  	[smem:$0x3F93] =	sst s2  }
0x8f: {  	_ = 	snop  }
0x90: {  	(tm) =	ssettm $0x1  }
0x91: {  	s17 =	sld [smem:$0x3FFB];
	_ =	sdelay $0x3  }
0x92: {  	_ =	strace s17  }
0x93: {  	s2 =	sld [smem:$0x3FFC];
	_ =	sdelay $0x3  }
0x94: {  	_ =	strace s2  }
0x95: {  	s2 =	sld [smem:$0x3FFD];
	_ =	sdelay $0x3  }
0x96: {  	_ =	strace s2  }
0x97: {  	_ =	strace $0x8FFFFFFF  }
0x98: {  	s18 =	sld [smem:$0x3FDB];
	_ =	sdelay $0x1  }
0x99: {  	s19 =	simm.s32 $_scs_section_size  }
0x9a: {  	s4 =	simm.s32 $_size__tile_overlayer_lowered;
	s5 =	simm.s32 $_tile_overlayer_lowered  }
0x9b: {  	s22 =	simm.s32 $0x1BFF;
	s21 =	sshll.u32 s5, $0x1;
	s2 =	sadd.s32 s19, s18  }
0x9c: {  	s6 =	simm.s32 $0x0;
	s20 =	sshll.u32 s4, $0x1;
	s4 =	sadd.s32 s21, s2  }
0x9d: {  	[timem:s6], [sflag:s22] =	dma.local [hbm:s4], s20  }
0x9e: {  	_ =	swait.ge [sflag:s22], s20  }
0x9f: {  	s3 =	ssub.s32 $0x0, s20;
	[sflag:s22] =	ssyncset.done $0x0  }
0xa0: {  	[sflag:s22] =	ssyncadd.s32 s3;
	_ =	sdelay $0x1  }
0xa1: {  	s23 =	simm.s32 $0x1B8B  }
0xa2: {  	_ =	swait.ge [sflag:s23], $0x1  }
0xa3: {  	[sflag:s23] =	ssyncset.done $0x0  }
0xa4: {  	s25 =	simm.s32 $0x1B8E;
	s24 =	sld [smem:$0x3FFE];
	[sflag:s23] =	ssyncadd.s32 $0xFFFFFFFF  }
0xa5: {  	s26 =	simm.s32 $execute0_lowered;
	[smem:$0x3FD2] =	sst s25  }
0xa6: {  	s4 =	sshll.u32 s26, $0x1;
	_ =	strace $0x80000046;
	[dreg:$0x1] =	wrdreg $0xFFFFFFFF  }
0xa7: {  	s28 =	simm.s32 $_size_execute0_lowered;
	s2 =	sadd.s32 s2, s4;
	[dreg:$0x0] =	wrdreg $0x0  }
0xa8: {  	s4 =	sshll.u32 s28, $0x1;
	[dreg:$0x2] =	wrdreg s2  }
0xa9: {  	[dreg:$0x3] =	wrdreg s4  }
0xaa: {  	[dreg:$0x4] =	wrdreg $0xC0  }
0xab: {  	_ =	task [dreg:s6], $0x5FFFF  }
0xac: {  	[dreg:$0x1] =	wrdreg $0xFFFFFFFF  }
0xad: {  	[dreg:$0x0] =	wrdreg $0x60  }
0xae: {  	[dreg:$0x2] =	wrdreg s24  }
0xaf: {  	[dreg:$0x3] =	wrdreg $0x9  }
0xb0: {  	_ =	task.clear_ibuf [dreg:s6], $0x4FFFF;
	_ =	strace $0x90000046  }
0xb1: {  	s29 =	simm.s32 $0x9;
	_ =	strace $0x80000048  }
0xb2: {  	_ =	swait.ge [sflag:s29], $0x1  }
0xb3: {  	[sflag:s29] =	ssyncadd.s32 $0xFFFFFFFF  }
0xb4: {  	_ =	strace $0x90000048  }
0xb5: {  	_ =	sfence  }
0xb6: {  	s30 =	sld [smem:$0x0];
	_ =	sdelay $0x2  }
0xb7: {  	s31 =	sshll.u32 s1, $0xD;
	s1 =	sshrl.u32 s1, $0x2  }
0xb8: {  	s3 =	sand.u32 $0x4000, s31;
	s1 =	sadd.s32 s1, s30  }
0xb9: {  	s0 =	sor.u32 s3, s0;
	s1 =	sshll.u32 s1, $0x11  }
0xba: {  	s0 =	sor.u32 s1, s0  }
0xbb: {  	s0 =	sadd.s32 $0x8F2B, s0  }
0xbc: {  	[sflag:s0] =	ssyncadd.remote.s32 $0x1  }
0xbd: {  	_ =	sfence.sel $0xFFFF  }
0xbe: {  	[dreg:$0x0] =	wrdreg $0xFFFFFFFF;
	(pc) =	sbr.abs _section_cstart, $3  }
0xbf: {  	[dreg:$0x1] =	wrdreg $0xFFFFFFFF  }
0xc0: {  	_ =	task.clear_ibuf [dreg:s6], $0x2FFFF;
	_ =	strace $0x9FFFFFFF  }
0xc1: {  	(tm) =	ssettm $0x7FFFFFFF  }
tec
execute0_lowered:
.L_overlay_start_1:
0x0: {  	(tag) =	ssettag $0x1  }
0x1: {  	s4 =	rddreg [dreg:$0x0]  }
0x2: {  	s0 =	rddreg [dreg:$0x1];
	s1 =	simm.s32 $0x0  }
0x3: {  	s5 =	srdreg.scid;
	s2 =	stileid.u32;
	s15 =	simm.s32 $0x4100  }
0x4: {  	s16 =	simm.s32 $0x1;
	s17 =	simm.s32 $0x2;
	s18 =	simm.s32 $0x0  }
0x5: {  	[smem:$0x7FF] =	sst s1;
	s3 =	sadd.s32 $0x30E200, s4;
	s9 =	sand.u32 $0x1, s5  }
0x6: {  	s11 =	sadd.s32 $0x66200, s4;
	s25 =	sshll.u32 s2, $0x11;
	s10 =	sadd.s32 $0x5BA600, s4  }
0x7: {  	s14 =	sshll.u32 s2, $0x15;
	_ =	strace $0x80000047;
	s6 =	sshll.u32 s9, $0x10  }
0x8: {  	s26 =	ssub.s32 $0x2, s9;
	s9 =	sshll.u32 s9, $0x14;
	s12 =	sor.u32 s6, s25  }
0x9: {  	s28 =	sshrl.u32 s26, $0x1;
	s6 =	sshrl.u32 s12, $0x3;
	s7 =	sor.u32 $0xFF80, s12  }
0xa: {  	s5 =	ssub.s32 s26, s28;
	s8 =	sshll.u32 s12, $0x4;
	s30 =	sor.u32 $0x80, s12  }
0xb: {  	s12 =	sor.u32 $0x100, s12;
	s4 =	sadd.s32 s11, s6;
	s29 =	sshrl.u32 s7, $0x3  }
0xc: {  	s5 =	smax.u32 s5, $0x1;
	s8 =	sadd.s32 s8, s10;
	s13 =	sshll.u32 s7, $0x4  }
0xd: {  	s31 =	sshrl.u32 s30, $0x3;
	s12 =	sshrl.u32 s12, $0x3;
	s6 =	sadd.s32 s11, s29  }
0xe: {  	s7 =	sadd.s32 $0xFF000, s8;
	s8 =	sadd.s32 s10, s13;
	s10 =	sadd.s32 s14, s10  }
0xf: {  	s13 =	simm.s32 $0x80;
	s14 =	simm.s32 $0x100;
	s9 =	sadd.s32 s9, s10  }
0x10: {  	s10 =	sadd.s32 s31, s11;
	s11 =	sadd.s32 s12, s11;
	s12 =	simm.s32 $0x3  }
.LBB2_1:
0x11: {  	[tilespmem:s1], [sflag:$0x3] =	stream.linear.gather [hbm4b:s4+s1], $0x80, $0x38;
	[tilespmem:$0x8100] =	vst v63  }
0x12: {  	_ =	swait.ge [sflag:s12], $0x80  }
0x13: {  	[sflag:s12] =	ssyncset.done $0x0  }
0x14: {  	[sflag:s12] =	ssyncadd.s32 $0xFFFFFF80  }
0x15: {  	[tilespmem:s14], [sflag:$0x1] =	stream.indirect.gather [hbm4b:s3+s13], $0x80, s1, s13, $0xb8;
	[tilespmem:$0x8100] =	vst v63  }
0x16: {  	s19 =	sadd.s32 $0x0, s10  }
0x17: {  	[tilespmem:s13], [sflag:$0x3] =	stream.linear.gather [hbm4b:s19+s1], $0x80, $0x38;
	[tilespmem:$0x8100] =	vst v63  }
0x18: {  	_ =	swait.ge [sflag:s12], $0x80  }
0x19: {  	[sflag:s12] =	ssyncset.done $0x0  }
0x1a: {  	[sflag:s12] =	ssyncadd.s32 $0xFFFFFF80  }
0x1b: {  	[tilespmem:s15], [sflag:$0x2] =	stream.indirect.gather [hbm4b:s3+s13], $0x80, s13, s13, $0xb8;
	[tilespmem:$0x8100] =	vst v63  }
0x1c: {  	_ =	swait.ge [sflag:s16], $0x4000  }
0x1d: {  	[sflag:s16] =	ssyncset.done $0x0  }
0x1e: {  	[sflag:s16] =	ssyncadd.s32 $0xFFFFC000  }
0x1f: {  	[hbm4b:s9+s1] =	stream.linear.scatter [tilespmem:s14], [sflag:$0x3], $0x4000, $0x38;
	[tilespmem:$0x8100] =	vst v63  }
0x20: {  	_ =	swait.ge [sflag:s12], $0x4000  }
0x21: {  	[sflag:s12] =	ssyncset.done $0x0  }
0x22: {  	s30 =	sadd.s32 $0x0, s11;
	[sflag:s12] =	ssyncadd.s32 $0xFFFFC000  }
0x23: {  	[tilespmem:s1], [sflag:$0x3] =	stream.linear.gather [hbm4b:s30+s1], $0x80, $0x38;
	[tilespmem:$0x8100] =	vst v63  }
0x24: {  	_ =	swait.ge [sflag:s12], $0x80  }
0x25: {  	[sflag:s12] =	ssyncset.done $0x0  }
0x26: {  	[sflag:s12] =	ssyncadd.s32 $0xFFFFFF80  }
0x27: {  	[tilespmem:s14], [sflag:$0x1] =	stream.indirect.gather [hbm4b:s3+s13], $0x80, s1, s13, $0xb8;
	[tilespmem:$0x8100] =	vst v63  }
0x28: {  	_ =	swait.ge [sflag:s17], $0x4000  }
0x29: {  	[sflag:s17] =	ssyncset.done $0x0  }
0x2a: {  	s31 =	sadd.s32 $0x800, s9;
	[sflag:s17] =	ssyncadd.s32 $0xFFFFC000  }
0x2b: {  	[hbm4b:s31+s1] =	stream.linear.scatter [tilespmem:s15], [sflag:$0x3], $0x4000, $0x38;
	[tilespmem:$0x8100] =	vst v63  }
0x2c: {  	s20 =	simm.s32 $0x20;
	_ =	swait.ge [sflag:s12], $0x4000  }
0x2d: {  	s21 =	simm.s32 $0x40;
	s19 =	sadd.s32 $0x1000, s9;
	[sflag:s12] =	ssyncset.done $0x0  }
.LBB2_2:
0x2e: {  	s22 =	sadd.s32 s20, s10  }
0x2f: {  	[sflag:s12] =	ssyncadd.s32 $0xFFFFC000;
	s23 =	smov.u32 s21;
	s24 =	sadd.s32 $0x20, s21  }
0x30: {  	[tilespmem:s13], [sflag:$0x3] =	stream.linear.gather [hbm4b:s22+s1], $0x80, $0x38;
	[tilespmem:$0x8100] =	vst v63  }
0x31: {  	p0 =	sne.s32 s21, $0x1FC0;
	_ =	swait.ge [sflag:s12], $0x80  }
0x32: {  	[sflag:s12] =	ssyncset.done $0x0  }
0x33: {  	[sflag:s12] =	ssyncadd.s32 $0xFFFFFF80  }
0x34: {  	[tilespmem:s15], [sflag:$0x2] =	stream.indirect.gather [hbm4b:s3+s13], $0x80, s13, s13, $0xb8;
	[tilespmem:$0x8100] =	vst v63  }
0x35: {  	_ =	swait.ge [sflag:s16], $0x4000  }
0x36: {  	[sflag:s16] =	ssyncset.done $0x0  }
0x37: {  	[sflag:s16] =	ssyncadd.s32 $0xFFFFC000  }
0x38: {  	[hbm4b:s19+s1] =	stream.linear.scatter [tilespmem:s14], [sflag:$0x3], $0x4000, $0x38;
	[tilespmem:$0x8100] =	vst v63  }
0x39: {  	_ =	swait.ge [sflag:s12], $0x4000  }
0x3a: {  	[sflag:s12] =	ssyncset.done $0x0  }
0x3b: {  	s21 =	sadd.s32 s20, s11;
	s20 =	smov.u32 s23;
	[sflag:s12] =	ssyncadd.s32 $0xFFFFC000  }
0x3c: {  	[tilespmem:s1], [sflag:$0x3] =	stream.linear.gather [hbm4b:s21+s1], $0x80, $0x38;
	[tilespmem:$0x8100] =	vst v63  }
0x3d: {  	_ =	swait.ge [sflag:s12], $0x80  }
0x3e: {  	[sflag:s12] =	ssyncset.done $0x0  }
0x3f: {  	[sflag:s12] =	ssyncadd.s32 $0xFFFFFF80  }
0x40: {  	[tilespmem:s14], [sflag:$0x1] =	stream.indirect.gather [hbm4b:s3+s13], $0x80, s1, s13, $0xb8;
	[tilespmem:$0x8100] =	vst v63  }
0x41: {  	_ =	swait.ge [sflag:s17], $0x4000  }
.Ltmp0:
0x42: {  	[sflag:s17] =	ssyncset.done $0x0;
	(pc) =	sbr.rel @p0 .LBB2_2-.Ltmp0, $4  }
0x43: {  	s21 =	sadd.s32 $0x800, s19;
	[sflag:s17] =	ssyncadd.s32 $0xFFFFC000  }
0x44: {  	[hbm4b:s21+s1] =	stream.linear.scatter [tilespmem:s15], [sflag:$0x3], $0x4000, $0x38;
	[tilespmem:$0x8100] =	vst v63  }
0x45: {  	_ =	swait.ge [sflag:s12], $0x4000  }
0x46: {  	s19 =	sadd.s32 $0x1000, s19;
	s21 =	smov.u32 s24;
	[sflag:s12] =	ssyncset.done $0x0  }
0x47: {  	s21 =	sadd.s32 s20, s10;
	[sflag:s12] =	ssyncadd.s32 $0xFFFFC000  }
0x48: {  	[tilespmem:s13], [sflag:$0x3] =	stream.linear.gather [hbm4b:s21+s1], $0x80, $0x38;
	[tilespmem:$0x8100] =	vst v63  }
0x49: {  	_ =	swait.ge [sflag:s12], $0x80  }
0x4a: {  	[sflag:s12] =	ssyncset.done $0x0  }
0x4b: {  	[sflag:s12] =	ssyncadd.s32 $0xFFFFFF80  }
0x4c: {  	[tilespmem:s15], [sflag:$0x2] =	stream.indirect.gather [hbm4b:s3+s13], $0x80, s13, s13, $0xb8;
	[tilespmem:$0x8100] =	vst v63  }
0x4d: {  	_ =	swait.ge [sflag:s16], $0x4000  }
0x4e: {  	[sflag:s16] =	ssyncset.done $0x0  }
0x4f: {  	[sflag:s16] =	ssyncadd.s32 $0xFFFFC000  }
0x50: {  	[hbm4b:s19+s1] =	stream.linear.scatter [tilespmem:s14], [sflag:$0x3], $0x4000, $0x38;
	[tilespmem:$0x8100] =	vst v63  }
0x51: {  	_ =	swait.ge [sflag:s12], $0x4000  }
0x52: {  	[sflag:s12] =	ssyncset.done $0x0  }
0x53: {  	s30 =	sadd.s32 s20, s11;
	[sflag:s12] =	ssyncadd.s32 $0xFFFFC000  }
0x54: {  	[tilespmem:s1], [sflag:$0x3] =	stream.linear.gather [hbm4b:s30+s1], $0x80, $0x38;
	[tilespmem:$0x8100] =	vst v63  }
0x55: {  	_ =	swait.ge [sflag:s12], $0x80  }
0x56: {  	[sflag:s12] =	ssyncset.done $0x0  }
0x57: {  	[sflag:s12] =	ssyncadd.s32 $0xFFFFFF80  }
0x58: {  	[tilespmem:s14], [sflag:$0x1] =	stream.indirect.gather [hbm4b:s3+s13], $0x80, s1, s13, $0xb8;
	[tilespmem:$0x8100] =	vst v63  }
0x59: {  	_ =	swait.ge [sflag:s17], $0x4000  }
0x5a: {  	[sflag:s17] =	ssyncset.done $0x0  }
0x5b: {  	s31 =	sadd.s32 $0x800, s19;
	[sflag:s17] =	ssyncadd.s32 $0xFFFFC000  }
0x5c: {  	[hbm4b:s31+s1] =	stream.linear.scatter [tilespmem:s15], [sflag:$0x3], $0x4000, $0x38;
	[tilespmem:$0x8100] =	vst v63  }
0x5d: {  	_ =	swait.ge [sflag:s12], $0x4000  }
0x5e: {  	[sflag:s12] =	ssyncset.done $0x0  }
0x5f: {  	[sflag:s12] =	ssyncadd.s32 $0xFFFFC000  }
0x60: {  	[tilespmem:s13], [sflag:$0x3] =	stream.linear.gather [hbm4b:s6+s1], $0x80, $0x38;
	[tilespmem:$0x8100] =	vst v63  }
0x61: {  	_ =	swait.ge [sflag:s12], $0x80  }
0x62: {  	[sflag:s12] =	ssyncset.done $0x0  }
0x63: {  	[sflag:s12] =	ssyncadd.s32 $0xFFFFFF80  }
0x64: {  	[tilespmem:s15], [sflag:$0x2] =	stream.indirect.gather [hbm4b:s3+s13], $0x80, s13, s13, $0xb8;
	[tilespmem:$0x8100] =	vst v63  }
0x65: {  	_ =	swait.ge [sflag:s16], $0x4000  }
0x66: {  	[sflag:s16] =	ssyncset.done $0x0  }
0x67: {  	[sflag:s16] =	ssyncadd.s32 $0xFFFFC000  }
0x68: {  	[hbm4b:s7+s1] =	stream.linear.scatter [tilespmem:s14], [sflag:$0x3], $0x4000, $0x38;
	[tilespmem:$0x8100] =	vst v63  }
0x69: {  	_ =	swait.ge [sflag:s12], $0x4000  }
0x6a: {  	[sflag:s12] =	ssyncset.done $0x0  }
0x6b: {  	[sflag:s12] =	ssyncadd.s32 $0xFFFFC000  }
0x6c: {  	s18 =	sadd.s32 $0x1, s18;
	_ =	swait.ge [sflag:s17], $0x4000  }
0x6d: {  	p0 =	sne.s32 s18, s5;
	[sflag:s17] =	ssyncset.done $0x0  }
.Ltmp1:
0x6e: {  	[sflag:s17] =	ssyncadd.s32 $0xFFFFC000;
	(pc) =	sbr.rel @p0 .LBB2_1-.Ltmp1, $4  }
0x6f: {  	[hbm4b:s8+s1] =	stream.linear.scatter [tilespmem:s15], [sflag:$0x3], $0x4000, $0x38;
	[tilespmem:$0x8100] =	vst v63  }
0x70: {  	_ =	swait.ge [sflag:s12], $0x4000  }
0x71: {  	[sflag:s12] =	ssyncset.done $0x0  }
0x72: {  	[sflag:s12] =	ssyncadd.s32 $0xFFFFC000  }
0x73: {  	_ =	sfence.sel $0x180000  }
0x74: {  	[bflag:$0x0] =	sbarrier.arrive $0xFFFF  }
0x75: {  	p0 =	sne.s32 s2, $0x0;
	_ =	strace $0x90000047  }
0x76: {  	s0 =	sadd.s32 @!p0 $0x100000, s0;
	[bflag:$0x2] =	sbarrier.arrive $0xFFFF  }
0x77: {  	[sflag:s0] =	ssyncadd.tile.s32 @!p0 $0x1;
	_ =	shalt  }
.Lfunc_end2:
_tile_overlayer_lowered:
.L_overlay_start_2:
0x78: {  	(tag) =	ssettag $0x2  }
0x79: {  	s0 =	rddreg [dreg:$0x0];
	s2 =	stileid.u32  }
0x7a: {  	s1 =	rddreg [dreg:$0x1];
	p0 =	sne.s32 s2, $0x0  }
0x7b: {  	s3 =	rddreg [dreg:$0x2];
	[bflag:$0x3] =	sbarrier.arrive $0xFFFF;
	s2 =	simm.s32 @!p0 $0x1C03  }
0x7c: {  	[timem:s3], [sflag:s2] =	dma.local @!p0 [hbm:s0], s1  }
0x7d: {  	s0 =	simm.s32 @!p0 $0x3  }
0x7e: {  	_ =	swait.ge @!p0 [sflag:s0], s1  }
0x7f: {  	s1 =	ssub.s32 @!p0 $0x0, s1;
	[sflag:s0] =	ssyncset.done @!p0 $0x0  }
0x80: {  	[sflag:s0] =	ssyncadd.s32 @!p0 s1  }
0x81: {  	[bflag:$0x3] =	sbarrier.arrive $0xFFFF  }
0x82: {  	_ =	shalt  }

// kernel: kernel.18.cloned.1.call-start
scs
__scs_entry_jumppad:
0x0: {  	(pc) =	sbr.rel $0x88, $3  }
0x1: {  	(tag) =	ssettag $0x0;
	lr =	simm.s32 $0x1  }
0x2: {  	[smem:$0x3F6C] =	sst lr;
	_ =	strace $0xD0000000  }
0x3: {  	_ = 	snop  }
0x4: {  	_ = 	snop  }
0x5: {  	_ = 	snop  }
0x6: {  	_ = 	snop  }
0x7: {  	_ = 	snop  }
__scs_overlays_trampoline_lowered:
0x8: {  	[smem:$0x3F7B] =	sst s0  }
0x9: {  	[smem:$0x3F7C] =	sst s1  }
0xa: {  	[smem:$0x3F7D] =	sst s2  }
0xb: {  	[smem:$0x3F7E] =	sst s3  }
0xc: {  	[smem:$0x3F7F] =	sst s4  }
0xd: {  	[smem:$0x3F80] =	sst s5  }
0xe: {  	[smem:$0x3F81] =	sst s6  }
0xf: {  	[smem:$0x3F82] =	sst s7  }
0x10: {  	[smem:$0x3F83] =	sst s8  }
0x11: {  	[smem:$0x3F84] =	sst s9;
	s0 =	simm.s32 @!p0 $0x0  }
0x12: {  	s1 =	sld [smem:$0x3F6A];
	s0 =	simm.s32 @p0 $0x1  }
0x13: {  	[smem:$0x3F85] =	sst s0;
	s0 =	simm.s32 @!p1 $0x0  }
0x14: {  	s2 =	sld [smem:$0x3F69];
	s0 =	simm.s32 @p1 $0x1  }
0x15: {  	[smem:$0x3F86] =	sst s0;
	s0 =	simm.s32 @!p2 $0x0  }
0x16: {  	s3 =	sld [smem:$0x3FDB];
	s0 =	simm.s32 @p2 $0x1  }
0x17: {  	s4 =	simm.s32 $0x1BF5;
	[smem:$0x3F88] =	sst s0  }
0x18: {  	s0 =	sld [smem:$0x3F6B];
	_ =	swait.ge [sflag:s4], $0x0  }
0x19: {  	s7 =	sld [smem:$0x3F6C]  }
0x1a: {  	s8 =	sadd.s32 $0xFFFFE003, lr  }
0x1b: {  	s9 =	sadd.s32 $0xFFFFFEF7, lr;
	s5 =	simm.s32 $0xFFFFFFFF;
	p2 =	slt.u32 s8, $0xFFFFF086  }
0x1c: {  	p1 =	slt.u32 s9, $0xF7A;
	s5 =	simm.s32 @!p2 $0x0  }
0x1d: {  	s5 =	simm.s32 @p1 $0x1;
	p0 =	seq.s32 s7, s2  }
0x1e: {  	s7 =	smul.u32 @!p0 $0xF7A, s2;
	p2 =	seq.s32 @!p0 s5, $0x0  }
0x1f: {  	s9 =	smul.u32 $0xF7A, s1;
	s8 =	simm.s32 @!p0 $0x1BF5;
	p2 =	por !p2, p0  }
0x20: {  	[sflag:s8] =	ssyncset.s32 @!p0 $0xFFFFF086;
	s6 =	sadd.s32 @!p0 s3, s7;
	s7 =	simm.s32 @!p0 $0x108  }
0x21: {  	s3 =	sadd.s32 s3, s9;
	s6 =	sadd.s32 @!p0 $0x88, s6;
	s7 =	simm.s32 @p2 $0x1082  }
0x22: {  	[simem:s7], [sflag:s8] =	dma.local @!p0 [hbm:s6], $0xF7A  }
0x23: {  	s9 =	sor.u32 $0xD0000000, s2;
	s6 =	simm.s32 $0x108;
	_ =	swait.ge @!p0 [sflag:s8], $0x0  }
0x24: {  	s3 =	sadd.s32 $0x88, s3;
	s6 =	simm.s32 @!p1 $0x1082;
	[sflag:s4] =	ssyncset.s32 $0xFFFFF086  }
0x25: {  	[simem:s6], [sflag:s4] =	dma.local [hbm:s3], $0xF7A  }
0x26: {  	[smem:$0x3F6C] =	sst s1;
	(tag) =	ssettag s2;
	_ =	strace s9  }
0x27: {  	s1 =	sld [smem:$0x3F7C]  }
0x28: {  	s2 =	sld [smem:$0x3F7D]  }
0x29: {  	s4 =	sld [smem:$0x3F7F]  }
0x2a: {  	p0 =	seq.s32 s5, $0x0;
	s5 =	sld [smem:$0x3F80]  }
0x2b: {  	s6 =	sld [smem:$0x3F81]  }
0x2c: {  	s7 =	sld [smem:$0x3F82]  }
0x2d: {  	s3 =	simm.s32 $0x108;
	s8 =	sld [smem:$0x3F83]  }
0x2e: {  	s3 =	simm.s32 @!p0 $0x1082;
	s9 =	sld [smem:$0x3F84]  }
0x2f: {  	lr =	sadd.s32 s0, s3;
	s0 =	sld [smem:$0x3F7B]  }
0x30: {  	s3 =	sld [smem:$0x3F7E]  }
0x31: {  	[smem:$0x3F87] =	sst s10  }
0x32: {  	s10 =	sld [smem:$0x3F85];
	_ =	sdelay $0x3  }
0x33: {  	p0 =	seq.s32 s10, $0x1;
	s10 =	sld [smem:$0x3F87];
	_ =	sdelay $0x3  }
0x34: {  	[smem:$0x3F87] =	sst s10  }
0x35: {  	s10 =	sld [smem:$0x3F86];
	_ =	sdelay $0x3  }
0x36: {  	p1 =	seq.s32 s10, $0x1;
	s10 =	sld [smem:$0x3F87];
	_ =	sdelay $0x3  }
0x37: {  	[smem:$0x3F87] =	sst s10  }
0x38: {  	s10 =	sld [smem:$0x3F88]  }
0x39: {  	_ = 	snop;
	(pc) =	sbr.ind lr, $3  }
0x3a: {  	_ = 	snop  }
0x3b: {  	_ = 	snop  }
0x3c: {  	p2 =	seq.s32 s10, $0x1;
	s10 =	sld [smem:$0x3F87]  }
0x3d: {  	_ =	shalt  }
0x3e: {  	_ =	shalt  }
0x3f: {  	_ =	shalt  }
0x40: {  	_ =	shalt  }
0x41: {  	_ =	shalt  }
0x42: {  	_ =	shalt  }
0x43: {  	_ =	shalt  }
0x44: {  	_ =	shalt  }
0x45: {  	_ =	shalt  }
0x46: {  	_ =	shalt  }
0x47: {  	_ =	shalt  }
0x48: {  	_ =	shalt  }
0x49: {  	_ =	shalt  }
0x4a: {  	_ =	shalt  }
0x4b: {  	_ =	shalt  }
0x4c: {  	_ =	shalt  }
0x4d: {  	_ =	shalt  }
0x4e: {  	_ =	shalt  }
0x4f: {  	_ =	shalt  }
0x50: {  	_ =	shalt  }
0x51: {  	_ =	shalt  }
0x52: {  	_ =	shalt  }
0x53: {  	_ =	shalt  }
0x54: {  	_ =	shalt  }
0x55: {  	_ =	shalt  }
0x56: {  	_ =	shalt  }
0x57: {  	_ =	shalt  }
0x58: {  	_ =	shalt  }
0x59: {  	_ =	shalt  }
0x5a: {  	_ =	shalt  }
0x5b: {  	_ =	shalt  }
0x5c: {  	_ =	shalt  }
0x5d: {  	_ =	shalt  }
0x5e: {  	_ =	shalt  }
0x5f: {  	_ =	shalt  }
0x60: {  	_ =	shalt  }
0x61: {  	_ =	shalt  }
0x62: {  	_ =	shalt  }
0x63: {  	_ =	shalt  }
0x64: {  	_ =	shalt  }
0x65: {  	_ =	shalt  }
0x66: {  	_ =	shalt  }
0x67: {  	_ =	shalt  }
0x68: {  	_ =	shalt  }
0x69: {  	_ =	shalt  }
0x6a: {  	_ =	shalt  }
0x6b: {  	_ =	shalt  }
0x6c: {  	_ =	shalt  }
0x6d: {  	_ =	shalt  }
0x6e: {  	_ =	shalt  }
0x6f: {  	_ =	shalt  }
0x70: {  	_ =	shalt  }
0x71: {  	_ =	shalt  }
0x72: {  	_ =	shalt  }
0x73: {  	_ =	shalt  }
0x74: {  	_ =	shalt  }
0x75: {  	_ =	shalt  }
0x76: {  	_ =	shalt  }
0x77: {  	_ =	shalt  }
0x78: {  	_ =	shalt  }
0x79: {  	_ =	shalt  }
0x7a: {  	_ =	shalt  }
0x7b: {  	_ =	shalt  }
0x7c: {  	_ =	shalt  }
0x7d: {  	_ =	shalt  }
0x7e: {  	_ =	shalt  }
0x7f: {  	_ =	shalt  }
0x80: {  	_ =	shalt  }
0x81: {  	_ =	shalt  }
0x82: {  	_ =	shalt  }
0x83: {  	_ =	shalt  }
0x84: {  	_ =	shalt  }
0x85: {  	_ =	shalt  }
0x86: {  	_ =	shalt  }
0x87: {  	_ =	shalt  }
.Lfunc_end0:
.L_simem_size_0:
called_computation.1_lowered:
.L_overlay_start_0:
0x88: {  	s2 =	sld [smem:$0x3FD9]  }
0x89: {  	s3 =	sld [smem:$0x3FFE];
	_ =	sdelay $0x1  }
0x8a: {  	s1 =	srdreg.scid  }
0x8b: {  	s0 =	sand.u32 $0x1, s1  }
0x8c: {  	s16 =	sshll.u32 s0, $0xA;
	s2 =	sadd.s32 s3, s2  }
0x8d: {  	s2 =	sadd.s32 s2, s16  }
0x8e: {  	[smem:$0x3F93] =	sst s2  }
0x8f: {  	_ = 	snop  }
0x90: {  	(tm) =	ssettm $0x1  }
0x91: {  	s17 =	sld [smem:$0x3FFB];
	_ =	sdelay $0x3  }
0x92: {  	_ =	strace s17  }
0x93: {  	s2 =	sld [smem:$0x3FFC];
	_ =	sdelay $0x3  }
0x94: {  	_ =	strace s2  }
0x95: {  	s2 =	sld [smem:$0x3FFD];
	_ =	sdelay $0x3  }
0x96: {  	_ =	strace s2  }
0x97: {  	_ =	strace $0x8FFFFFFF  }
0x98: {  	s18 =	sld [smem:$0x3FDB];
	_ =	sdelay $0x1  }
0x99: {  	s19 =	simm.s32 $_scs_section_size  }
0x9a: {  	s4 =	simm.s32 $_size__tile_overlayer_lowered;
	s5 =	simm.s32 $_tile_overlayer_lowered  }
0x9b: {  	s22 =	simm.s32 $0x1BFF;
	s21 =	sshll.u32 s5, $0x1;
	s2 =	sadd.s32 s19, s18  }
0x9c: {  	s6 =	simm.s32 $0x0;
	s20 =	sshll.u32 s4, $0x1;
	s4 =	sadd.s32 s21, s2  }
0x9d: {  	[timem:s6], [sflag:s22] =	dma.local [hbm:s4], s20  }
0x9e: {  	_ =	swait.ge [sflag:s22], s20  }
0x9f: {  	s3 =	ssub.s32 $0x0, s20;
	[sflag:s22] =	ssyncset.done $0x0  }
0xa0: {  	[sflag:s22] =	ssyncadd.s32 s3;
	_ =	sdelay $0x1  }
0xa1: {  	s23 =	simm.s32 $0x1B8B  }
0xa2: {  	_ =	swait.ge [sflag:s23], $0x1  }
0xa3: {  	[sflag:s23] =	ssyncset.done $0x0  }
0xa4: {  	s25 =	simm.s32 $0x1B8E;
	s24 =	sld [smem:$0x3FFE];
	[sflag:s23] =	ssyncadd.s32 $0xFFFFFFFF  }
0xa5: {  	s26 =	simm.s32 $execute0_lowered;
	[smem:$0x3FD2] =	sst s25  }
0xa6: {  	s4 =	sshll.u32 s26, $0x1;
	_ =	strace $0x80000049;
	[dreg:$0x1] =	wrdreg $0xFFFFFFFF  }
0xa7: {  	s28 =	simm.s32 $_size_execute0_lowered;
	s2 =	sadd.s32 s2, s4;
	[dreg:$0x0] =	wrdreg $0x0  }
0xa8: {  	s4 =	sshll.u32 s28, $0x1;
	[dreg:$0x2] =	wrdreg s2  }
0xa9: {  	[dreg:$0x3] =	wrdreg s4  }
0xaa: {  	[dreg:$0x4] =	wrdreg $0xC0  }
0xab: {  	_ =	task [dreg:s6], $0x5FFFF  }
0xac: {  	[dreg:$0x1] =	wrdreg $0xFFFFFFFF  }
0xad: {  	[dreg:$0x0] =	wrdreg $0x60  }
0xae: {  	[dreg:$0x2] =	wrdreg s24  }
0xaf: {  	[dreg:$0x3] =	wrdreg $0x9  }
0xb0: {  	_ =	task.clear_ibuf [dreg:s6], $0x4FFFF;
	_ =	strace $0x90000049  }
0xb1: {  	s29 =	simm.s32 $0x9;
	_ =	strace $0x8000004B  }
0xb2: {  	_ =	swait.ge [sflag:s29], $0x1  }
0xb3: {  	[sflag:s29] =	ssyncadd.s32 $0xFFFFFFFF  }
0xb4: {  	_ =	strace $0x9000004B  }
0xb5: {  	_ =	sfence  }
0xb6: {  	s30 =	sld [smem:$0x0];
	_ =	sdelay $0x2  }
0xb7: {  	s31 =	sshll.u32 s1, $0xD;
	s1 =	sshrl.u32 s1, $0x2  }
0xb8: {  	s3 =	sand.u32 $0x4000, s31;
	s1 =	sadd.s32 s1, s30  }
0xb9: {  	s0 =	sor.u32 s3, s0;
	s1 =	sshll.u32 s1, $0x11  }
0xba: {  	s0 =	sor.u32 s1, s0  }
0xbb: {  	s0 =	sadd.s32 $0x8F2B, s0  }
0xbc: {  	[sflag:s0] =	ssyncadd.remote.s32 $0x1  }
0xbd: {  	_ =	sfence.sel $0xFFFF  }
0xbe: {  	[dreg:$0x0] =	wrdreg $0xFFFFFFFF;
	(pc) =	sbr.abs _section_cstart, $3  }
0xbf: {  	[dreg:$0x1] =	wrdreg $0xFFFFFFFF  }
0xc0: {  	_ =	task.clear_ibuf [dreg:s6], $0x2FFFF;
	_ =	strace $0x9FFFFFFF  }
0xc1: {  	(tm) =	ssettm $0x7FFFFFFF  }
tec
execute0_lowered:
.L_overlay_start_1:
0x0: {  	(tag) =	ssettag $0x1  }
0x1: {  	s4 =	rddreg [dreg:$0x0]  }
0x2: {  	s0 =	rddreg [dreg:$0x1];
	s1 =	simm.s32 $0x0  }
0x3: {  	s5 =	srdreg.scid;
	s2 =	stileid.u32;
	s15 =	simm.s32 $0x4100  }
0x4: {  	s16 =	simm.s32 $0x1;
	s17 =	simm.s32 $0x2;
	s18 =	simm.s32 $0x0  }
0x5: {  	[smem:$0x7FF] =	sst s1;
	s3 =	sadd.s32 $0x2665A00, s4;
	s9 =	sand.u32 $0x1, s5  }
0x6: {  	s11 =	sadd.s32 $0x51200, s4;
	s25 =	sshll.u32 s2, $0x11;
	s10 =	sadd.s32 $0x191200, s4  }
0x7: {  	s14 =	sshll.u32 s2, $0x15;
	_ =	strace $0x8000004A;
	s6 =	sshll.u32 s9, $0x10  }
0x8: {  	s26 =	ssub.s32 $0x2, s9;
	s9 =	sshll.u32 s9, $0x14;
	s12 =	sor.u32 s6, s25  }
0x9: {  	s28 =	sshrl.u32 s26, $0x1;
	s6 =	sshrl.u32 s12, $0x3;
	s7 =	sor.u32 $0xFF80, s12  }
0xa: {  	s5 =	ssub.s32 s26, s28;
	s8 =	sshll.u32 s12, $0x4;
	s30 =	sor.u32 $0x80, s12  }
0xb: {  	s12 =	sor.u32 $0x100, s12;
	s4 =	sadd.s32 s11, s6;
	s29 =	sshrl.u32 s7, $0x3  }
0xc: {  	s5 =	smax.u32 s5, $0x1;
	s8 =	sadd.s32 s8, s10;
	s13 =	sshll.u32 s7, $0x4  }
0xd: {  	s31 =	sshrl.u32 s30, $0x3;
	s12 =	sshrl.u32 s12, $0x3;
	s6 =	sadd.s32 s11, s29  }
0xe: {  	s7 =	sadd.s32 $0xFF000, s8;
	s8 =	sadd.s32 s10, s13;
	s10 =	sadd.s32 s14, s10  }
0xf: {  	s13 =	simm.s32 $0x80;
	s14 =	simm.s32 $0x100;
	s9 =	sadd.s32 s9, s10  }
0x10: {  	s10 =	sadd.s32 s31, s11;
	s11 =	sadd.s32 s12, s11;
	s12 =	simm.s32 $0x3  }
.LBB2_1:
0x11: {  	[tilespmem:s1], [sflag:$0x3] =	stream.linear.gather [hbm4b:s4+s1], $0x80, $0x38;
	[tilespmem:$0x8100] =	vst v63  }
0x12: {  	_ =	swait.ge [sflag:s12], $0x80  }
0x13: {  	[sflag:s12] =	ssyncset.done $0x0  }
0x14: {  	[sflag:s12] =	ssyncadd.s32 $0xFFFFFF80  }
0x15: {  	[tilespmem:s14], [sflag:$0x1] =	stream.indirect.gather [hbm4b:s3+s13], $0x80, s1, s13, $0xb8;
	[tilespmem:$0x8100] =	vst v63  }
0x16: {  	s19 =	sadd.s32 $0x0, s10  }
0x17: {  	[tilespmem:s13], [sflag:$0x3] =	stream.linear.gather [hbm4b:s19+s1], $0x80, $0x38;
	[tilespmem:$0x8100] =	vst v63  }
0x18: {  	_ =	swait.ge [sflag:s12], $0x80  }
0x19: {  	[sflag:s12] =	ssyncset.done $0x0  }
0x1a: {  	[sflag:s12] =	ssyncadd.s32 $0xFFFFFF80  }
0x1b: {  	[tilespmem:s15], [sflag:$0x2] =	stream.indirect.gather [hbm4b:s3+s13], $0x80, s13, s13, $0xb8;
	[tilespmem:$0x8100] =	vst v63  }
0x1c: {  	_ =	swait.ge [sflag:s16], $0x4000  }
0x1d: {  	[sflag:s16] =	ssyncset.done $0x0  }
0x1e: {  	[sflag:s16] =	ssyncadd.s32 $0xFFFFC000  }
0x1f: {  	[hbm4b:s9+s1] =	stream.linear.scatter [tilespmem:s14], [sflag:$0x3], $0x4000, $0x38;
	[tilespmem:$0x8100] =	vst v63  }
0x20: {  	_ =	swait.ge [sflag:s12], $0x4000  }
0x21: {  	[sflag:s12] =	ssyncset.done $0x0  }
0x22: {  	s30 =	sadd.s32 $0x0, s11;
	[sflag:s12] =	ssyncadd.s32 $0xFFFFC000  }
0x23: {  	[tilespmem:s1], [sflag:$0x3] =	stream.linear.gather [hbm4b:s30+s1], $0x80, $0x38;
	[tilespmem:$0x8100] =	vst v63  }
0x24: {  	_ =	swait.ge [sflag:s12], $0x80  }
0x25: {  	[sflag:s12] =	ssyncset.done $0x0  }
0x26: {  	[sflag:s12] =	ssyncadd.s32 $0xFFFFFF80  }
0x27: {  	[tilespmem:s14], [sflag:$0x1] =	stream.indirect.gather [hbm4b:s3+s13], $0x80, s1, s13, $0xb8;
	[tilespmem:$0x8100] =	vst v63  }
0x28: {  	_ =	swait.ge [sflag:s17], $0x4000  }
0x29: {  	[sflag:s17] =	ssyncset.done $0x0  }
0x2a: {  	s31 =	sadd.s32 $0x800, s9;
	[sflag:s17] =	ssyncadd.s32 $0xFFFFC000  }
0x2b: {  	[hbm4b:s31+s1] =	stream.linear.scatter [tilespmem:s15], [sflag:$0x3], $0x4000, $0x38;
	[tilespmem:$0x8100] =	vst v63  }
0x2c: {  	s20 =	simm.s32 $0x20;
	_ =	swait.ge [sflag:s12], $0x4000  }
0x2d: {  	s21 =	simm.s32 $0x40;
	s19 =	sadd.s32 $0x1000, s9;
	[sflag:s12] =	ssyncset.done $0x0  }
.LBB2_2:
0x2e: {  	s22 =	sadd.s32 s20, s10  }
0x2f: {  	[sflag:s12] =	ssyncadd.s32 $0xFFFFC000;
	s23 =	smov.u32 s21;
	s24 =	sadd.s32 $0x20, s21  }
0x30: {  	[tilespmem:s13], [sflag:$0x3] =	stream.linear.gather [hbm4b:s22+s1], $0x80, $0x38;
	[tilespmem:$0x8100] =	vst v63  }
0x31: {  	p0 =	sne.s32 s21, $0x1FC0;
	_ =	swait.ge [sflag:s12], $0x80  }
0x32: {  	[sflag:s12] =	ssyncset.done $0x0  }
0x33: {  	[sflag:s12] =	ssyncadd.s32 $0xFFFFFF80  }
0x34: {  	[tilespmem:s15], [sflag:$0x2] =	stream.indirect.gather [hbm4b:s3+s13], $0x80, s13, s13, $0xb8;
	[tilespmem:$0x8100] =	vst v63  }
0x35: {  	_ =	swait.ge [sflag:s16], $0x4000  }
0x36: {  	[sflag:s16] =	ssyncset.done $0x0  }
0x37: {  	[sflag:s16] =	ssyncadd.s32 $0xFFFFC000  }
0x38: {  	[hbm4b:s19+s1] =	stream.linear.scatter [tilespmem:s14], [sflag:$0x3], $0x4000, $0x38;
	[tilespmem:$0x8100] =	vst v63  }
0x39: {  	_ =	swait.ge [sflag:s12], $0x4000  }
0x3a: {  	[sflag:s12] =	ssyncset.done $0x0  }
0x3b: {  	s21 =	sadd.s32 s20, s11;
	s20 =	smov.u32 s23;
	[sflag:s12] =	ssyncadd.s32 $0xFFFFC000  }
0x3c: {  	[tilespmem:s1], [sflag:$0x3] =	stream.linear.gather [hbm4b:s21+s1], $0x80, $0x38;
	[tilespmem:$0x8100] =	vst v63  }
0x3d: {  	_ =	swait.ge [sflag:s12], $0x80  }
0x3e: {  	[sflag:s12] =	ssyncset.done $0x0  }
0x3f: {  	[sflag:s12] =	ssyncadd.s32 $0xFFFFFF80  }
0x40: {  	[tilespmem:s14], [sflag:$0x1] =	stream.indirect.gather [hbm4b:s3+s13], $0x80, s1, s13, $0xb8;
	[tilespmem:$0x8100] =	vst v63  }
0x41: {  	_ =	swait.ge [sflag:s17], $0x4000  }
.Ltmp0:
0x42: {  	[sflag:s17] =	ssyncset.done $0x0;
	(pc) =	sbr.rel @p0 .LBB2_2-.Ltmp0, $4  }
0x43: {  	s21 =	sadd.s32 $0x800, s19;
	[sflag:s17] =	ssyncadd.s32 $0xFFFFC000  }
0x44: {  	[hbm4b:s21+s1] =	stream.linear.scatter [tilespmem:s15], [sflag:$0x3], $0x4000, $0x38;
	[tilespmem:$0x8100] =	vst v63  }
0x45: {  	_ =	swait.ge [sflag:s12], $0x4000  }
0x46: {  	s19 =	sadd.s32 $0x1000, s19;
	s21 =	smov.u32 s24;
	[sflag:s12] =	ssyncset.done $0x0  }
0x47: {  	s21 =	sadd.s32 s20, s10;
	[sflag:s12] =	ssyncadd.s32 $0xFFFFC000  }
0x48: {  	[tilespmem:s13], [sflag:$0x3] =	stream.linear.gather [hbm4b:s21+s1], $0x80, $0x38;
	[tilespmem:$0x8100] =	vst v63  }
0x49: {  	_ =	swait.ge [sflag:s12], $0x80  }
0x4a: {  	[sflag:s12] =	ssyncset.done $0x0  }
0x4b: {  	[sflag:s12] =	ssyncadd.s32 $0xFFFFFF80  }
0x4c: {  	[tilespmem:s15], [sflag:$0x2] =	stream.indirect.gather [hbm4b:s3+s13], $0x80, s13, s13, $0xb8;
	[tilespmem:$0x8100] =	vst v63  }
0x4d: {  	_ =	swait.ge [sflag:s16], $0x4000  }
0x4e: {  	[sflag:s16] =	ssyncset.done $0x0  }
0x4f: {  	[sflag:s16] =	ssyncadd.s32 $0xFFFFC000  }
0x50: {  	[hbm4b:s19+s1] =	stream.linear.scatter [tilespmem:s14], [sflag:$0x3], $0x4000, $0x38;
	[tilespmem:$0x8100] =	vst v63  }
0x51: {  	_ =	swait.ge [sflag:s12], $0x4000  }
0x52: {  	[sflag:s12] =	ssyncset.done $0x0  }
0x53: {  	s30 =	sadd.s32 s20, s11;
	[sflag:s12] =	ssyncadd.s32 $0xFFFFC000  }
0x54: {  	[tilespmem:s1], [sflag:$0x3] =	stream.linear.gather [hbm4b:s30+s1], $0x80, $0x38;
	[tilespmem:$0x8100] =	vst v63  }
0x55: {  	_ =	swait.ge [sflag:s12], $0x80  }
0x56: {  	[sflag:s12] =	ssyncset.done $0x0  }
0x57: {  	[sflag:s12] =	ssyncadd.s32 $0xFFFFFF80  }
0x58: {  	[tilespmem:s14], [sflag:$0x1] =	stream.indirect.gather [hbm4b:s3+s13], $0x80, s1, s13, $0xb8;
	[tilespmem:$0x8100] =	vst v63  }
0x59: {  	_ =	swait.ge [sflag:s17], $0x4000  }
0x5a: {  	[sflag:s17] =	ssyncset.done $0x0  }
0x5b: {  	s31 =	sadd.s32 $0x800, s19;
	[sflag:s17] =	ssyncadd.s32 $0xFFFFC000  }
0x5c: {  	[hbm4b:s31+s1] =	stream.linear.scatter [tilespmem:s15], [sflag:$0x3], $0x4000, $0x38;
	[tilespmem:$0x8100] =	vst v63  }
0x5d: {  	_ =	swait.ge [sflag:s12], $0x4000  }
0x5e: {  	[sflag:s12] =	ssyncset.done $0x0  }
0x5f: {  	[sflag:s12] =	ssyncadd.s32 $0xFFFFC000  }
0x60: {  	[tilespmem:s13], [sflag:$0x3] =	stream.linear.gather [hbm4b:s6+s1], $0x80, $0x38;
	[tilespmem:$0x8100] =	vst v63  }
0x61: {  	_ =	swait.ge [sflag:s12], $0x80  }
0x62: {  	[sflag:s12] =	ssyncset.done $0x0  }
0x63: {  	[sflag:s12] =	ssyncadd.s32 $0xFFFFFF80  }
0x64: {  	[tilespmem:s15], [sflag:$0x2] =	stream.indirect.gather [hbm4b:s3+s13], $0x80, s13, s13, $0xb8;
	[tilespmem:$0x8100] =	vst v63  }
0x65: {  	_ =	swait.ge [sflag:s16], $0x4000  }
0x66: {  	[sflag:s16] =	ssyncset.done $0x0  }
0x67: {  	[sflag:s16] =	ssyncadd.s32 $0xFFFFC000  }
0x68: {  	[hbm4b:s7+s1] =	stream.linear.scatter [tilespmem:s14], [sflag:$0x3], $0x4000, $0x38;
	[tilespmem:$0x8100] =	vst v63  }
0x69: {  	_ =	swait.ge [sflag:s12], $0x4000  }
0x6a: {  	[sflag:s12] =	ssyncset.done $0x0  }
0x6b: {  	[sflag:s12] =	ssyncadd.s32 $0xFFFFC000  }
0x6c: {  	s18 =	sadd.s32 $0x1, s18;
	_ =	swait.ge [sflag:s17], $0x4000  }
0x6d: {  	p0 =	sne.s32 s18, s5;
	[sflag:s17] =	ssyncset.done $0x0  }
.Ltmp1:
0x6e: {  	[sflag:s17] =	ssyncadd.s32 $0xFFFFC000;
	(pc) =	sbr.rel @p0 .LBB2_1-.Ltmp1, $4  }
0x6f: {  	[hbm4b:s8+s1] =	stream.linear.scatter [tilespmem:s15], [sflag:$0x3], $0x4000, $0x38;
	[tilespmem:$0x8100] =	vst v63  }
0x70: {  	_ =	swait.ge [sflag:s12], $0x4000  }
0x71: {  	[sflag:s12] =	ssyncset.done $0x0  }
0x72: {  	[sflag:s12] =	ssyncadd.s32 $0xFFFFC000  }
0x73: {  	_ =	sfence.sel $0x180000  }
0x74: {  	[bflag:$0x0] =	sbarrier.arrive $0xFFFF  }
0x75: {  	p0 =	sne.s32 s2, $0x0;
	_ =	strace $0x9000004A  }
0x76: {  	s0 =	sadd.s32 @!p0 $0x100000, s0;
	[bflag:$0x2] =	sbarrier.arrive $0xFFFF  }
0x77: {  	[sflag:s0] =	ssyncadd.tile.s32 @!p0 $0x1;
	_ =	shalt  }
.Lfunc_end2:
_tile_overlayer_lowered:
.L_overlay_start_2:
0x78: {  	(tag) =	ssettag $0x2  }
0x79: {  	s0 =	rddreg [dreg:$0x0];
	s2 =	stileid.u32  }
0x7a: {  	s1 =	rddreg [dreg:$0x1];
	p0 =	sne.s32 s2, $0x0  }
0x7b: {  	s3 =	rddreg [dreg:$0x2];
	[bflag:$0x3] =	sbarrier.arrive $0xFFFF;
	s2 =	simm.s32 @!p0 $0x1C03  }
0x7c: {  	[timem:s3], [sflag:s2] =	dma.local @!p0 [hbm:s0], s1  }
0x7d: {  	s0 =	simm.s32 @!p0 $0x3  }
0x7e: {  	_ =	swait.ge @!p0 [sflag:s0], s1  }
0x7f: {  	s1 =	ssub.s32 @!p0 $0x0, s1;
	[sflag:s0] =	ssyncset.done @!p0 $0x0  }
0x80: {  	[sflag:s0] =	ssyncadd.s32 @!p0 s1  }
0x81: {  	[bflag:$0x3] =	sbarrier.arrive $0xFFFF  }
0x82: {  	_ =	shalt  }

</sc_bundles>
